<compile_context>
chip_gen: v7x
topology: tpu7x:2x2x1
jax: 0.10.2.dev20260603
libtpu: 0.0.44.dev20260713+nightly
codegen_flags: <defaults>
</compile_context>

<pallas_src>
import functools

import jax
import jax.numpy as jnp
from jax import lax
from jax.experimental import pallas as pl
from jax.experimental.pallas import tpu as pltpu
from jax.experimental.pallas import tpu_sc as plsc

N = 10000
D = 128
E = 320000
NUM_CLASSES = 16

NC = 2
NS = 16
CHUNK = 128
NPAD = 10240
ROWS_PER_SUB = NPAD // NS
EPW = ((E + NC * NS * CHUNK - 1) // (NC * NS * CHUNK)) * CHUNK
EPAD = NC * NS * EPW
TRASH = N


def _sc_mesh():
    return plsc.VectorSubcoreMesh(core_axis_name="c", subcore_axis_name="s")


_SC_PARAMS = pltpu.CompilerParams(use_tc_tiling_on_sc=False)


def _make_edge_pass(w):

    @functools.partial(
        pl.kernel,
        mesh=_sc_mesh(),
        compiler_params=_SC_PARAMS,
        out_type=jax.ShapeDtypeStruct((NC, NPAD, w), jnp.float32),
        scratch_types=[
            pltpu.VMEM((CHUNK,), jnp.int32),
            pltpu.VMEM((CHUNK,), jnp.int32),
            pltpu.VMEM((CHUNK, w), jnp.float32),
            pltpu.VMEM_SHARED((NPAD, w), jnp.float32),
            pltpu.SemaphoreType.DMA,
        ],
    )
    def edge_pass(src_hbm, dst_hbm, y_hbm, z_hbm, out_hbm,
                  src_v, dst_v, rows_v, acc_sh, sem):
        c = lax.axis_index("c")
        s = lax.axis_index("s")
        wid = c * NS + s
        r0 = s * ROWS_PER_SUB
        pltpu.sync_copy(z_hbm.at[pl.ds(r0, ROWS_PER_SUB)],
                        acc_sh.at[pl.ds(r0, ROWS_PER_SUB)])
        plsc.subcore_barrier()
        base0 = wid * EPW

        @pl.loop(0, EPW, step=CHUNK)
        def _(i):
            b = base0 + i
            pltpu.sync_copy(src_hbm.at[pl.ds(b, CHUNK)], src_v)
            pltpu.sync_copy(dst_hbm.at[pl.ds(b, CHUNK)], dst_v)
            pltpu.async_copy(y_hbm.at[src_v], rows_v, sem).wait()
            pltpu.sync_copy(rows_v, acc_sh.at[dst_v], add=True)

        plsc.subcore_barrier()
        pltpu.sync_copy(acc_sh.at[pl.ds(r0, ROWS_PER_SUB)],
                        out_hbm.at[c, pl.ds(r0, ROWS_PER_SUB)])

    return edge_pass


def _make_deg_pass():

    @functools.partial(
        pl.kernel,
        mesh=_sc_mesh(),
        compiler_params=_SC_PARAMS,
        out_type=jax.ShapeDtypeStruct((NC, NPAD, 1), jnp.float32),
        scratch_types=[
            pltpu.VMEM((CHUNK,), jnp.int32),
            pltpu.VMEM((CHUNK, 1), jnp.float32),
            pltpu.VMEM_SHARED((NPAD, 1), jnp.float32),
        ],
    )
    def deg_pass(dst_hbm, ones_hbm, z_hbm, out_hbm, dst_v, ones_v, acc_sh):
        c = lax.axis_index("c")
        s = lax.axis_index("s")
        wid = c * NS + s
        r0 = s * ROWS_PER_SUB
        pltpu.sync_copy(ones_hbm, ones_v)
        pltpu.sync_copy(z_hbm.at[pl.ds(r0, ROWS_PER_SUB)],
                        acc_sh.at[pl.ds(r0, ROWS_PER_SUB)])
        plsc.subcore_barrier()
        base0 = wid * EPW

        @pl.loop(0, EPW, step=CHUNK)
        def _(i):
            b = base0 + i
            pltpu.sync_copy(dst_hbm.at[pl.ds(b, CHUNK)], dst_v)
            pltpu.sync_copy(ones_v, acc_sh.at[dst_v], add=True)

        plsc.subcore_barrier()
        pltpu.sync_copy(acc_sh.at[pl.ds(r0, ROWS_PER_SUB)],
                        out_hbm.at[c, pl.ds(r0, ROWS_PER_SUB)])

    return deg_pass


def _tc_matmul(x, W):
    def body(x_ref, w_ref, o_ref):
        o_ref[...] = jnp.dot(x_ref[...], w_ref[...],
                             preferred_element_type=jnp.float32)

    return pl.pallas_call(
        body,
        out_shape=jax.ShapeDtypeStruct((x.shape[0], W.shape[1]), jnp.float32),
    )(x, W)


def _tc_prep1(deg_parts, xw):

    def body(deg_ref, xw_ref, y_ref, dinv_ref):
        dp = deg_ref[...]
        dinv = lax.rsqrt(dp[0] + dp[1] + 1.0)[:N]
        dinv_ref[...] = dinv
        y_ref[...] = xw_ref[...] * dinv

    return pl.pallas_call(
        body,
        out_shape=(
            jax.ShapeDtypeStruct((N, xw.shape[1]), jnp.float32),
            jax.ShapeDtypeStruct((N, 1), jnp.float32),
        ),
    )(deg_parts, xw)


def _tc_mid(acc_parts, y, dinv, Wn, b):

    def body(acc_ref, y_ref, dinv_ref, w_ref, b_ref, o_ref):
        a = acc_ref[...]
        tot = a[0, :N] + a[1, :N] + y_ref[...]
        di = dinv_ref[...]
        h = jnp.tanh(tot * di + b_ref[...])
        o_ref[...] = jnp.dot(h, w_ref[...],
                             preferred_element_type=jnp.float32) * di

    return pl.pallas_call(
        body,
        out_shape=jax.ShapeDtypeStruct((N, Wn.shape[1]), jnp.float32),
    )(acc_parts, y, dinv, Wn, b)


def _tc_final(acc_parts, y, dinv, b3, Wc, bc):

    def body(acc_ref, y_ref, dinv_ref, b3_ref, wc_ref, bc_ref, o_ref, h_ref):
        a = acc_ref[...]
        tot = a[0, :N] + a[1, :N] + y_ref[...]
        h = jnp.tanh(tot * dinv_ref[...] + b3_ref[...])
        h_ref[...] = h
        o_ref[...] = jnp.dot(h, wc_ref[...],
                             preferred_element_type=jnp.float32) + bc_ref[...]

    return pl.pallas_call(
        body,
        out_shape=(
            jax.ShapeDtypeStruct((N, NUM_CLASSES), jnp.float32),
            jax.ShapeDtypeStruct((N, 2), jnp.float32),
        ),
    )(acc_parts, y, dinv, b3, Wc, bc)


def kernel(x, edge_index, W1, b1, W2, b2, W3, b3, Wc, bc):
    src = edge_index[0]
    dst = edge_index[1]
    pad = EPAD - E
    src_p = jnp.concatenate([src, jnp.zeros((pad,), jnp.int32)])
    dst_p = jnp.concatenate([dst, jnp.full((pad,), TRASH, jnp.int32)])

    z4 = jnp.zeros((NPAD, 4), jnp.float32)
    z2 = jnp.zeros((NPAD, 2), jnp.float32)
    z1 = jnp.zeros((NPAD, 1), jnp.float32)
    ones = jnp.ones((CHUNK, 1), jnp.float32)

    deg_pass = _make_deg_pass()
    pass4 = _make_edge_pass(4)
    pass2 = _make_edge_pass(2)

    deg_parts = deg_pass(dst_p, ones, z1)
    xw1 = _tc_matmul(x, W1)
    y1, dinv = _tc_prep1(deg_parts, xw1)

    acc1 = pass4(src_p, dst_p, y1, z4)
    y2 = _tc_mid(acc1, y1, dinv, W2, b1.reshape(1, 4))

    acc2 = pass4(src_p, dst_p, y2, z4)
    y3 = _tc_mid(acc2, y2, dinv, W3, b2.reshape(1, 4))

    acc3 = pass2(src_p, dst_p, y3, z2)
    out, h = _tc_final(acc3, y3, dinv, b3.reshape(1, 2), Wc, bc.reshape(1, NUM_CLASSES))
    return (out, h)

# --- scband reference (transcript-rebuilt; emitter-appended) ---
"""Pipeline reference for scband-gcn-80625126080958 (READ-ONLY COPY).

The authoritative reference and input builder live on the scoring server;
editing this copy changes nothing except your own understanding.
"""

import jax, jax.numpy as jnp
import numpy as np

N = 10000
E = 320000
D = 128
NUM_CLASSES = 16


def setup_inputs(seed: int = 0) -> dict:
    key = jax.random.key(seed)
    ks = jax.random.split(key, 10)
    x = jax.random.normal(ks[0], (N, D), dtype=jnp.float32)
    edge_index = jax.random.randint(ks[1], (2, E), 0, N, dtype=jnp.int32)
    # GCNConv weights (glorot-ish scale) per init: conv1(D->4), conv2(4->4), conv3(4->2), classifier(2->16)
    W1 = jax.random.normal(ks[2], (D, 4), dtype=jnp.float32) * (1.0 / np.sqrt(D))
    b1 = jnp.zeros((4,), dtype=jnp.float32)
    W2 = jax.random.normal(ks[3], (4, 4), dtype=jnp.float32) * (1.0 / np.sqrt(4))
    b2 = jnp.zeros((4,), dtype=jnp.float32)
    W3 = jax.random.normal(ks[4], (4, 2), dtype=jnp.float32) * (1.0 / np.sqrt(4))
    b3 = jnp.zeros((2,), dtype=jnp.float32)
    Wc = jax.random.normal(ks[5], (2, NUM_CLASSES), dtype=jnp.float32) * (1.0 / np.sqrt(2))
    bc = jnp.zeros((NUM_CLASSES,), dtype=jnp.float32)
    return {"x": x, "edge_index": edge_index, "W1": W1, "b1": b1, "W2": W2, "b2": b2, "W3": W3, "b3": b3, "Wc": Wc, "bc": bc}


def gcn_conv(x, src, dst, W, b):
    # Faithful GCNConv: add self-loops, linear transform, symmetric deg^-1/2 normalization, scatter-add aggregation.
    n = x.shape[0]
    loop = jnp.arange(n, dtype=src.dtype)
    s = jnp.concatenate([src, loop])
    d = jnp.concatenate([dst, loop])
    xw = x @ W
    deg = jnp.zeros((n,), dtype=x.dtype).at[d].add(1.0)
    dinv = 1.0 / jnp.sqrt(deg)  # deg >= 1 due to self-loops
    norm = dinv[s] * dinv[d]
    msg = jnp.take(xw, s, axis=0) * norm[:, None]
    out = jnp.zeros((n, W.shape[1]), dtype=x.dtype).at[d].add(msg)
    return out + b


def reference(x, edge_index, W1, b1, W2, b2, W3, b3, Wc, bc):
    src, dst = edge_index[0], edge_index[1]
    h = jnp.tanh(gcn_conv(x, src, dst, W1, b1))
    h = jnp.tanh(gcn_conv(h, src, dst, W2, b2))
    h = jnp.tanh(gcn_conv(h, src, dst, W3, b3))
    out = h @ Wc + bc
    return (out, h)

if __name__ == "__main__":
    import jax
    _d = setup_inputs()
    print(jax.jit(kernel)(*tuple(_d.values())))

</pallas_src>

<mosaic_0001>
#map = affine_map<(d0, d1) -> (0)>
#map1 = affine_map<(d0, d1) -> (0, 0)>
#map2 = affine_map<(d0, d1) -> (0, 0, 0)>
module attributes {stable_mosaic.version = 14 : i64} {
  func.func @deg_pass(%arg0: i32, %arg1: i32, %arg2: memref<323584xi32, #tpu.memory_space<hbm>>, %arg3: memref<128x1xf32, #tpu.memory_space<hbm>>, %arg4: memref<10240x1xf32, #tpu.memory_space<hbm>>, %arg5: memref<2x10240x1xf32, #tpu.memory_space<hbm>>, %arg6: memref<128xi32, #tpu.memory_space<vmem>>, %arg7: memref<128x1xf32, #tpu.memory_space<vmem>>, %arg8: memref<10240x1xf32, #tpu.memory_space<vmem_shared>>) attributes {dimension_semantics = [#tpu.dimension_semantics<core_parallel>, #tpu.dimension_semantics<subcore_parallel>], iteration_bounds = array<i64: 2, 16>, scalar_prefetch = 0 : i64, scratch_operands = 3 : i64, tpu.core_type = #tpu.core_type<sc_vector_subcore>, window_params = [{transform_indices = #map}, {transform_indices = #map1}, {transform_indices = #map1}, {transform_indices = #map2}]} {
    %mul3A = arith.constant 16 : i32
    %mul3A_0 = arith.muli %arg0, %mul3A : i32
    %add3A = arith.addi %mul3A_0, %arg1 : i32
    %mul3A_1 = arith.constant 640 : i32
    %mul3A_2 = arith.muli %arg1, %mul3A_1 : i32
    "tpu.region"() ({
      %run_scoped3A = tpu.sem_alloc : memref<!tpu.dma_semaphore, #tpu.memory_space<semaphore_mem>>
      tpu.enqueue_dma source(%arg3 : memref<128x1xf32, #tpu.memory_space<hbm>>) target(%arg7 : memref<128x1xf32, #tpu.memory_space<vmem>>) target_semaphore(%run_scoped3A : memref<!tpu.dma_semaphore, #tpu.memory_space<semaphore_mem>>)
      tpu.wait_dma2 semaphore(%run_scoped3A : memref<!tpu.dma_semaphore, #tpu.memory_space<semaphore_mem>>) src(%arg3 : memref<128x1xf32, #tpu.memory_space<hbm>>) dst(%arg7 : memref<128x1xf32, #tpu.memory_space<vmem>>)
      tpu.yield
    }) : () -> ()
    "tpu.region"() ({
      %run_scoped3A = tpu.sem_alloc : memref<!tpu.dma_semaphore, #tpu.memory_space<semaphore_mem>>
      %dma_start3A = arith.constant 0 : i32
      %dma_start3A_10 = tpu.memref_slice %arg8[%mul3A_2, %dma_start3A] : memref<10240x1xf32, #tpu.memory_space<vmem_shared>> -> memref<640x1xf32, #tpu.memory_space<vmem_shared>>
      %dma_start3A_11 = arith.constant 0 : i32
      %dma_start3A_12 = tpu.memref_slice %arg4[%mul3A_2, %dma_start3A_11] : memref<10240x1xf32, #tpu.memory_space<hbm>> -> memref<640x1xf32, #tpu.memory_space<hbm>>
      tpu.enqueue_dma source(%dma_start3A_12 : memref<640x1xf32, #tpu.memory_space<hbm>>) target(%dma_start3A_10 : memref<640x1xf32, #tpu.memory_space<vmem_shared>>) target_semaphore(%run_scoped3A : memref<!tpu.dma_semaphore, #tpu.memory_space<semaphore_mem>>)
      %dma_wait3A = arith.constant 0 : i32
      %dma_wait3A_13 = tpu.memref_slice %arg8[%mul3A_2, %dma_wait3A] : memref<10240x1xf32, #tpu.memory_space<vmem_shared>> -> memref<640x1xf32, #tpu.memory_space<vmem_shared>>
      %dma_wait3A_14 = arith.constant 0 : i32
      %dma_wait3A_15 = tpu.memref_slice %arg4[%mul3A_2, %dma_wait3A_14] : memref<10240x1xf32, #tpu.memory_space<hbm>> -> memref<640x1xf32, #tpu.memory_space<hbm>>
      tpu.wait_dma2 semaphore(%run_scoped3A : memref<!tpu.dma_semaphore, #tpu.memory_space<semaphore_mem>>) src(%dma_wait3A_15 : memref<640x1xf32, #tpu.memory_space<hbm>>) dst(%dma_wait3A_13 : memref<640x1xf32, #tpu.memory_space<vmem_shared>>)
      tpu.yield
    }) : () -> ()
    %barrier3A = arith.constant 0 : index
    tpu.barrier barrier_id(%barrier3A)
    %mul3A_3 = arith.constant 10112 : i32
    %mul3A_4 = arith.muli %add3A, %mul3A_3 : i32
    %scan3A = arith.constant 0 : i32
    %scan3A_5 = arith.constant 79 : i32
    %scan3A_6 = arith.addi %scan3A, %scan3A_5 : i32
    %scan3A_7 = arith.constant 1 : i32
    scf.for %scan3A_10 = %scan3A to %scan3A_6 step %scan3A_7  : i32 {
      %mul3A_11 = arith.constant 128 : i32
      %mul3A_12 = arith.muli %scan3A_10, %mul3A_11 : i32
      %add3A_13 = arith.constant 0 : i32
      %add3A_14 = arith.addi %add3A_13, %mul3A_12 : i32
      %add3A_15 = arith.addi %mul3A_4, %add3A_14 : i32
      "tpu.region"() ({
        %run_scoped3A = tpu.sem_alloc : memref<!tpu.dma_semaphore, #tpu.memory_space<semaphore_mem>>
        %dma_start3A = tpu.memref_slice %arg2[%add3A_15] : memref<323584xi32, #tpu.memory_space<hbm>> -> memref<128xi32, #tpu.memory_space<hbm>>
        %dma_start3A_16 = tpu.memref_slice %arg2[%add3A_15] : memref<323584xi32, #tpu.memory_space<hbm>> -> memref<128xi32, #tpu.memory_space<hbm>>
        tpu.enqueue_dma source(%dma_start3A_16 : memref<128xi32, #tpu.memory_space<hbm>>) target(%arg6 : memref<128xi32, #tpu.memory_space<vmem>>) target_semaphore(%run_scoped3A : memref<!tpu.dma_semaphore, #tpu.memory_space<semaphore_mem>>)
        %dma_wait3A = tpu.memref_slice %arg2[%add3A_15] : memref<323584xi32, #tpu.memory_space<hbm>> -> memref<128xi32, #tpu.memory_space<hbm>>
        %dma_wait3A_17 = tpu.memref_slice %arg2[%add3A_15] : memref<323584xi32, #tpu.memory_space<hbm>> -> memref<128xi32, #tpu.memory_space<hbm>>
        tpu.wait_dma2 semaphore(%run_scoped3A : memref<!tpu.dma_semaphore, #tpu.memory_space<semaphore_mem>>) src(%dma_wait3A_17 : memref<128xi32, #tpu.memory_space<hbm>>) dst(%arg6 : memref<128xi32, #tpu.memory_space<vmem>>)
        tpu.yield
      }) : () -> ()
      "tpu.region"() ({
        %run_scoped3A = tpu.sem_alloc : memref<!tpu.dma_semaphore, #tpu.memory_space<semaphore_mem>>
        %dma_start3A = arith.constant 0 : i32
        %dma_start3A_16 = arith.constant 0 : i32
        %dma_start3A_17 = tpu.memref_slice %arg8[%dma_start3A, %dma_start3A_16] : memref<10240x1xf32, #tpu.memory_space<vmem_shared>> -> memref<10240x1xf32, #tpu.memory_space<vmem_shared>>
        tpu.enqueue_indirect_dma source(%arg7 : memref<128x1xf32, #tpu.memory_space<vmem>>) target(%dma_start3A_17 : memref<10240x1xf32, #tpu.memory_space<vmem_shared>>) offsets(%arg6 : memref<128xi32, #tpu.memory_space<vmem>>) semaphore(%run_scoped3A : memref<!tpu.dma_semaphore, #tpu.memory_space<semaphore_mem>>) {add = true}
        %dma_wait3A = arith.constant 0 : i32
        %dma_wait3A_18 = arith.constant 0 : i32
        %dma_wait3A_19 = tpu.memref_slice %arg8[%dma_wait3A, %dma_wait3A_18] : memref<10240x1xf32, #tpu.memory_space<vmem_shared>> -> memref<10240x1xf32, #tpu.memory_space<vmem_shared>>
        tpu.wait_indirect_dma semaphore(%run_scoped3A : memref<!tpu.dma_semaphore, #tpu.memory_space<semaphore_mem>>) src(%arg7 : memref<128x1xf32, #tpu.memory_space<vmem>>) dst(%dma_wait3A_19 : memref<10240x1xf32, #tpu.memory_space<vmem_shared>>)
        tpu.yield
      }) : () -> ()
    }
    %scan3A_8 = arith.constant 79 : i32
    %barrier3A_9 = arith.constant 0 : index
    tpu.barrier barrier_id(%barrier3A_9)
    "tpu.region"() ({
      %run_scoped3A = tpu.sem_alloc : memref<!tpu.dma_semaphore, #tpu.memory_space<semaphore_mem>>
      %dma_start3A = arith.constant 0 : i32
      %dma_start3A_10 = tpu.memref_slice %arg5[%arg0, %mul3A_2, %dma_start3A] : memref<2x10240x1xf32, #tpu.memory_space<hbm>> -> memref<1x640x1xf32, #tpu.memory_space<hbm>>
      %dma_start3A_11 = tpu.memref_squeeze %dma_start3A_10 : memref<1x640x1xf32, #tpu.memory_space<hbm>> -> memref<640x1xf32, #tpu.memory_space<hbm>>
      %dma_start3A_12 = arith.constant 0 : i32
      %dma_start3A_13 = tpu.memref_slice %arg8[%mul3A_2, %dma_start3A_12] : memref<10240x1xf32, #tpu.memory_space<vmem_shared>> -> memref<640x1xf32, #tpu.memory_space<vmem_shared>>
      tpu.enqueue_dma source(%dma_start3A_13 : memref<640x1xf32, #tpu.memory_space<vmem_shared>>) target(%dma_start3A_11 : memref<640x1xf32, #tpu.memory_space<hbm>>) target_semaphore(%run_scoped3A : memref<!tpu.dma_semaphore, #tpu.memory_space<semaphore_mem>>)
      %dma_wait3A = arith.constant 0 : i32
      %dma_wait3A_14 = tpu.memref_slice %arg5[%arg0, %mul3A_2, %dma_wait3A] : memref<2x10240x1xf32, #tpu.memory_space<hbm>> -> memref<1x640x1xf32, #tpu.memory_space<hbm>>
      %dma_wait3A_15 = tpu.memref_squeeze %dma_wait3A_14 : memref<1x640x1xf32, #tpu.memory_space<hbm>> -> memref<640x1xf32, #tpu.memory_space<hbm>>
      %dma_wait3A_16 = arith.constant 0 : i32
      %dma_wait3A_17 = tpu.memref_slice %arg8[%mul3A_2, %dma_wait3A_16] : memref<10240x1xf32, #tpu.memory_space<vmem_shared>> -> memref<640x1xf32, #tpu.memory_space<vmem_shared>>
      tpu.wait_dma2 semaphore(%run_scoped3A : memref<!tpu.dma_semaphore, #tpu.memory_space<semaphore_mem>>) src(%dma_wait3A_17 : memref<640x1xf32, #tpu.memory_space<vmem_shared>>) dst(%dma_wait3A_15 : memref<640x1xf32, #tpu.memory_space<hbm>>)
      tpu.yield
    }) : () -> ()
    return
  }
}

#map = affine_map<(d0, d1) -> (0)>
#map1 = affine_map<(d0, d1) -> (0, 0)>
#map2 = affine_map<(d0, d1) -> (0, 0, 0)>
module attributes {stable_mosaic.version = 14 : i64} {
  func.func @edge_pass(%arg0: i32, %arg1: i32, %arg2: memref<323584xi32, #tpu.memory_space<hbm>>, %arg3: memref<323584xi32, #tpu.memory_space<hbm>>, %arg4: memref<10000x4xf32, #tpu.memory_space<hbm>>, %arg5: memref<10240x4xf32, #tpu.memory_space<hbm>>, %arg6: memref<2x10240x4xf32, #tpu.memory_space<hbm>>, %arg7: memref<128xi32, #tpu.memory_space<vmem>>, %arg8: memref<128xi32, #tpu.memory_space<vmem>>, %arg9: memref<128x4xf32, #tpu.memory_space<vmem>>, %arg10: memref<10240x4xf32, #tpu.memory_space<vmem_shared>>, %arg11: memref<!tpu.dma_semaphore, #tpu.memory_space<semaphore_mem>>) attributes {dimension_semantics = [#tpu.dimension_semantics<core_parallel>, #tpu.dimension_semantics<subcore_parallel>], iteration_bounds = array<i64: 2, 16>, scalar_prefetch = 0 : i64, scratch_operands = 5 : i64, tpu.core_type = #tpu.core_type<sc_vector_subcore>, window_params = [{transform_indices = #map}, {transform_indices = #map}, {transform_indices = #map1}, {transform_indices = #map1}, {transform_indices = #map2}]} {
    %mul3A = arith.constant 16 : i32
    %mul3A_0 = arith.muli %arg0, %mul3A : i32
    %add3A = arith.addi %mul3A_0, %arg1 : i32
    %mul3A_1 = arith.constant 640 : i32
    %mul3A_2 = arith.muli %arg1, %mul3A_1 : i32
    "tpu.region"() ({
      %run_scoped3A = tpu.sem_alloc : memref<!tpu.dma_semaphore, #tpu.memory_space<semaphore_mem>>
      %dma_start3A = arith.constant 0 : i32
      %dma_start3A_10 = tpu.memref_slice %arg10[%mul3A_2, %dma_start3A] : memref<10240x4xf32, #tpu.memory_space<vmem_shared>> -> memref<640x4xf32, #tpu.memory_space<vmem_shared>>
      %dma_start3A_11 = arith.constant 0 : i32
      %dma_start3A_12 = tpu.memref_slice %arg5[%mul3A_2, %dma_start3A_11] : memref<10240x4xf32, #tpu.memory_space<hbm>> -> memref<640x4xf32, #tpu.memory_space<hbm>>
      tpu.enqueue_dma source(%dma_start3A_12 : memref<640x4xf32, #tpu.memory_space<hbm>>) target(%dma_start3A_10 : memref<640x4xf32, #tpu.memory_space<vmem_shared>>) target_semaphore(%run_scoped3A : memref<!tpu.dma_semaphore, #tpu.memory_space<semaphore_mem>>)
      %dma_wait3A = arith.constant 0 : i32
      %dma_wait3A_13 = tpu.memref_slice %arg10[%mul3A_2, %dma_wait3A] : memref<10240x4xf32, #tpu.memory_space<vmem_shared>> -> memref<640x4xf32, #tpu.memory_space<vmem_shared>>
      %dma_wait3A_14 = arith.constant 0 : i32
      %dma_wait3A_15 = tpu.memref_slice %arg5[%mul3A_2, %dma_wait3A_14] : memref<10240x4xf32, #tpu.memory_space<hbm>> -> memref<640x4xf32, #tpu.memory_space<hbm>>
      tpu.wait_dma2 semaphore(%run_scoped3A : memref<!tpu.dma_semaphore, #tpu.memory_space<semaphore_mem>>) src(%dma_wait3A_15 : memref<640x4xf32, #tpu.memory_space<hbm>>) dst(%dma_wait3A_13 : memref<640x4xf32, #tpu.memory_space<vmem_shared>>)
      tpu.yield
    }) : () -> ()
    %barrier3A = arith.constant 0 : index
    tpu.barrier barrier_id(%barrier3A)
    %mul3A_3 = arith.constant 10112 : i32
    %mul3A_4 = arith.muli %add3A, %mul3A_3 : i32
    %scan3A = arith.constant 0 : i32
    %scan3A_5 = arith.constant 79 : i32
    %scan3A_6 = arith.addi %scan3A, %scan3A_5 : i32
    %scan3A_7 = arith.constant 1 : i32
    scf.for %scan3A_10 = %scan3A to %scan3A_6 step %scan3A_7  : i32 {
      %mul3A_11 = arith.constant 128 : i32
      %mul3A_12 = arith.muli %scan3A_10, %mul3A_11 : i32
      %add3A_13 = arith.constant 0 : i32
      %add3A_14 = arith.addi %add3A_13, %mul3A_12 : i32
      %add3A_15 = arith.addi %mul3A_4, %add3A_14 : i32
      "tpu.region"() ({
        %run_scoped3A = tpu.sem_alloc : memref<!tpu.dma_semaphore, #tpu.memory_space<semaphore_mem>>
        %dma_start3A_20 = tpu.memref_slice %arg2[%add3A_15] : memref<323584xi32, #tpu.memory_space<hbm>> -> memref<128xi32, #tpu.memory_space<hbm>>
        %dma_start3A_21 = tpu.memref_slice %arg2[%add3A_15] : memref<323584xi32, #tpu.memory_space<hbm>> -> memref<128xi32, #tpu.memory_space<hbm>>
        tpu.enqueue_dma source(%dma_start3A_21 : memref<128xi32, #tpu.memory_space<hbm>>) target(%arg7 : memref<128xi32, #tpu.memory_space<vmem>>) target_semaphore(%run_scoped3A : memref<!tpu.dma_semaphore, #tpu.memory_space<semaphore_mem>>)
        %dma_wait3A_22 = tpu.memref_slice %arg2[%add3A_15] : memref<323584xi32, #tpu.memory_space<hbm>> -> memref<128xi32, #tpu.memory_space<hbm>>
        %dma_wait3A_23 = tpu.memref_slice %arg2[%add3A_15] : memref<323584xi32, #tpu.memory_space<hbm>> -> memref<128xi32, #tpu.memory_space<hbm>>
        tpu.wait_dma2 semaphore(%run_scoped3A : memref<!tpu.dma_semaphore, #tpu.memory_space<semaphore_mem>>) src(%dma_wait3A_23 : memref<128xi32, #tpu.memory_space<hbm>>) dst(%arg7 : memref<128xi32, #tpu.memory_space<vmem>>)
        tpu.yield
      }) : () -> ()
      "tpu.region"() ({
        %run_scoped3A = tpu.sem_alloc : memref<!tpu.dma_semaphore, #tpu.memory_space<semaphore_mem>>
        %dma_start3A_20 = tpu.memref_slice %arg3[%add3A_15] : memref<323584xi32, #tpu.memory_space<hbm>> -> memref<128xi32, #tpu.memory_space<hbm>>
        %dma_start3A_21 = tpu.memref_slice %arg3[%add3A_15] : memref<323584xi32, #tpu.memory_space<hbm>> -> memref<128xi32, #tpu.memory_space<hbm>>
        tpu.enqueue_dma source(%dma_start3A_21 : memref<128xi32, #tpu.memory_space<hbm>>) target(%arg8 : memref<128xi32, #tpu.memory_space<vmem>>) target_semaphore(%run_scoped3A : memref<!tpu.dma_semaphore, #tpu.memory_space<semaphore_mem>>)
        %dma_wait3A_22 = tpu.memref_slice %arg3[%add3A_15] : memref<323584xi32, #tpu.memory_space<hbm>> -> memref<128xi32, #tpu.memory_space<hbm>>
        %dma_wait3A_23 = tpu.memref_slice %arg3[%add3A_15] : memref<323584xi32, #tpu.memory_space<hbm>> -> memref<128xi32, #tpu.memory_space<hbm>>
        tpu.wait_dma2 semaphore(%run_scoped3A : memref<!tpu.dma_semaphore, #tpu.memory_space<semaphore_mem>>) src(%dma_wait3A_23 : memref<128xi32, #tpu.memory_space<hbm>>) dst(%arg8 : memref<128xi32, #tpu.memory_space<vmem>>)
        tpu.yield
      }) : () -> ()
      %dma_start3A = arith.constant 0 : i32
      %dma_start3A_16 = arith.constant 0 : i32
      %dma_start3A_17 = tpu.memref_slice %arg4[%dma_start3A, %dma_start3A_16] : memref<10000x4xf32, #tpu.memory_space<hbm>> -> memref<10000x4xf32, #tpu.memory_space<hbm>>
      tpu.enqueue_indirect_dma source(%dma_start3A_17 : memref<10000x4xf32, #tpu.memory_space<hbm>>) target(%arg9 : memref<128x4xf32, #tpu.memory_space<vmem>>) offsets(%arg7 : memref<128xi32, #tpu.memory_space<vmem>>) semaphore(%arg11 : memref<!tpu.dma_semaphore, #tpu.memory_space<semaphore_mem>>)
      %dma_wait3A = arith.constant 0 : i32
      %dma_wait3A_18 = arith.constant 0 : i32
      %dma_wait3A_19 = tpu.memref_slice %arg4[%dma_wait3A, %dma_wait3A_18] : memref<10000x4xf32, #tpu.memory_space<hbm>> -> memref<10000x4xf32, #tpu.memory_space<hbm>>
      tpu.wait_indirect_dma semaphore(%arg11 : memref<!tpu.dma_semaphore, #tpu.memory_space<semaphore_mem>>) src(%dma_wait3A_19 : memref<10000x4xf32, #tpu.memory_space<hbm>>) dst(%arg9 : memref<128x4xf32, #tpu.memory_space<vmem>>)
      "tpu.region"() ({
        %run_scoped3A = tpu.sem_alloc : memref<!tpu.dma_semaphore, #tpu.memory_space<semaphore_mem>>
        %dma_start3A_20 = arith.constant 0 : i32
        %dma_start3A_21 = arith.constant 0 : i32
        %dma_start3A_22 = tpu.memref_slice %arg10[%dma_start3A_20, %dma_start3A_21] : memref<10240x4xf32, #tpu.memory_space<vmem_shared>> -> memref<10240x4xf32, #tpu.memory_space<vmem_shared>>
        tpu.enqueue_indirect_dma source(%arg9 : memref<128x4xf32, #tpu.memory_space<vmem>>) target(%dma_start3A_22 : memref<10240x4xf32, #tpu.memory_space<vmem_shared>>) offsets(%arg8 : memref<128xi32, #tpu.memory_space<vmem>>) semaphore(%run_scoped3A : memref<!tpu.dma_semaphore, #tpu.memory_space<semaphore_mem>>) {add = true}
        %dma_wait3A_23 = arith.constant 0 : i32
        %dma_wait3A_24 = arith.constant 0 : i32
        %dma_wait3A_25 = tpu.memref_slice %arg10[%dma_wait3A_23, %dma_wait3A_24] : memref<10240x4xf32, #tpu.memory_space<vmem_shared>> -> memref<10240x4xf32, #tpu.memory_space<vmem_shared>>
        tpu.wait_indirect_dma semaphore(%run_scoped3A : memref<!tpu.dma_semaphore, #tpu.memory_space<semaphore_mem>>) src(%arg9 : memref<128x4xf32, #tpu.memory_space<vmem>>) dst(%dma_wait3A_25 : memref<10240x4xf32, #tpu.memory_space<vmem_shared>>)
        tpu.yield
      }) : () -> ()
    }
    %scan3A_8 = arith.constant 79 : i32
    %barrier3A_9 = arith.constant 0 : index
    tpu.barrier barrier_id(%barrier3A_9)
    "tpu.region"() ({
      %run_scoped3A = tpu.sem_alloc : memref<!tpu.dma_semaphore, #tpu.memory_space<semaphore_mem>>
      %dma_start3A = arith.constant 0 : i32
      %dma_start3A_10 = tpu.memref_slice %arg6[%arg0, %mul3A_2, %dma_start3A] : memref<2x10240x4xf32, #tpu.memory_space<hbm>> -> memref<1x640x4xf32, #tpu.memory_space<hbm>>
      %dma_start3A_11 = tpu.memref_squeeze %dma_start3A_10 : memref<1x640x4xf32, #tpu.memory_space<hbm>> -> memref<640x4xf32, #tpu.memory_space<hbm>>
      %dma_start3A_12 = arith.constant 0 : i32
      %dma_start3A_13 = tpu.memref_slice %arg10[%mul3A_2, %dma_start3A_12] : memref<10240x4xf32, #tpu.memory_space<vmem_shared>> -> memref<640x4xf32, #tpu.memory_space<vmem_shared>>
      tpu.enqueue_dma source(%dma_start3A_13 : memref<640x4xf32, #tpu.memory_space<vmem_shared>>) target(%dma_start3A_11 : memref<640x4xf32, #tpu.memory_space<hbm>>) target_semaphore(%run_scoped3A : memref<!tpu.dma_semaphore, #tpu.memory_space<semaphore_mem>>)
      %dma_wait3A = arith.constant 0 : i32
      %dma_wait3A_14 = tpu.memref_slice %arg6[%arg0, %mul3A_2, %dma_wait3A] : memref<2x10240x4xf32, #tpu.memory_space<hbm>> -> memref<1x640x4xf32, #tpu.memory_space<hbm>>
      %dma_wait3A_15 = tpu.memref_squeeze %dma_wait3A_14 : memref<1x640x4xf32, #tpu.memory_space<hbm>> -> memref<640x4xf32, #tpu.memory_space<hbm>>
      %dma_wait3A_16 = arith.constant 0 : i32
      %dma_wait3A_17 = tpu.memref_slice %arg10[%mul3A_2, %dma_wait3A_16] : memref<10240x4xf32, #tpu.memory_space<vmem_shared>> -> memref<640x4xf32, #tpu.memory_space<vmem_shared>>
      tpu.wait_dma2 semaphore(%run_scoped3A : memref<!tpu.dma_semaphore, #tpu.memory_space<semaphore_mem>>) src(%dma_wait3A_17 : memref<640x4xf32, #tpu.memory_space<vmem_shared>>) dst(%dma_wait3A_15 : memref<640x4xf32, #tpu.memory_space<hbm>>)
      tpu.yield
    }) : () -> ()
    return
  }
}

#map = affine_map<(d0, d1) -> (0)>
#map1 = affine_map<(d0, d1) -> (0, 0)>
#map2 = affine_map<(d0, d1) -> (0, 0, 0)>
module attributes {stable_mosaic.version = 14 : i64} {
  func.func @edge_pass(%arg0: i32, %arg1: i32, %arg2: memref<323584xi32, #tpu.memory_space<hbm>>, %arg3: memref<323584xi32, #tpu.memory_space<hbm>>, %arg4: memref<10000x2xf32, #tpu.memory_space<hbm>>, %arg5: memref<10240x2xf32, #tpu.memory_space<hbm>>, %arg6: memref<2x10240x2xf32, #tpu.memory_space<hbm>>, %arg7: memref<128xi32, #tpu.memory_space<vmem>>, %arg8: memref<128xi32, #tpu.memory_space<vmem>>, %arg9: memref<128x2xf32, #tpu.memory_space<vmem>>, %arg10: memref<10240x2xf32, #tpu.memory_space<vmem_shared>>, %arg11: memref<!tpu.dma_semaphore, #tpu.memory_space<semaphore_mem>>) attributes {dimension_semantics = [#tpu.dimension_semantics<core_parallel>, #tpu.dimension_semantics<subcore_parallel>], iteration_bounds = array<i64: 2, 16>, scalar_prefetch = 0 : i64, scratch_operands = 5 : i64, tpu.core_type = #tpu.core_type<sc_vector_subcore>, window_params = [{transform_indices = #map}, {transform_indices = #map}, {transform_indices = #map1}, {transform_indices = #map1}, {transform_indices = #map2}]} {
    %mul3A = arith.constant 16 : i32
    %mul3A_0 = arith.muli %arg0, %mul3A : i32
    %add3A = arith.addi %mul3A_0, %arg1 : i32
    %mul3A_1 = arith.constant 640 : i32
    %mul3A_2 = arith.muli %arg1, %mul3A_1 : i32
    "tpu.region"() ({
      %run_scoped3A = tpu.sem_alloc : memref<!tpu.dma_semaphore, #tpu.memory_space<semaphore_mem>>
      %dma_start3A = arith.constant 0 : i32
      %dma_start3A_10 = tpu.memref_slice %arg10[%mul3A_2, %dma_start3A] : memref<10240x2xf32, #tpu.memory_space<vmem_shared>> -> memref<640x2xf32, #tpu.memory_space<vmem_shared>>
      %dma_start3A_11 = arith.constant 0 : i32
      %dma_start3A_12 = tpu.memref_slice %arg5[%mul3A_2, %dma_start3A_11] : memref<10240x2xf32, #tpu.memory_space<hbm>> -> memref<640x2xf32, #tpu.memory_space<hbm>>
      tpu.enqueue_dma source(%dma_start3A_12 : memref<640x2xf32, #tpu.memory_space<hbm>>) target(%dma_start3A_10 : memref<640x2xf32, #tpu.memory_space<vmem_shared>>) target_semaphore(%run_scoped3A : memref<!tpu.dma_semaphore, #tpu.memory_space<semaphore_mem>>)
      %dma_wait3A = arith.constant 0 : i32
      %dma_wait3A_13 = tpu.memref_slice %arg10[%mul3A_2, %dma_wait3A] : memref<10240x2xf32, #tpu.memory_space<vmem_shared>> -> memref<640x2xf32, #tpu.memory_space<vmem_shared>>
      %dma_wait3A_14 = arith.constant 0 : i32
      %dma_wait3A_15 = tpu.memref_slice %arg5[%mul3A_2, %dma_wait3A_14] : memref<10240x2xf32, #tpu.memory_space<hbm>> -> memref<640x2xf32, #tpu.memory_space<hbm>>
      tpu.wait_dma2 semaphore(%run_scoped3A : memref<!tpu.dma_semaphore, #tpu.memory_space<semaphore_mem>>) src(%dma_wait3A_15 : memref<640x2xf32, #tpu.memory_space<hbm>>) dst(%dma_wait3A_13 : memref<640x2xf32, #tpu.memory_space<vmem_shared>>)
      tpu.yield
    }) : () -> ()
    %barrier3A = arith.constant 0 : index
    tpu.barrier barrier_id(%barrier3A)
    %mul3A_3 = arith.constant 10112 : i32
    %mul3A_4 = arith.muli %add3A, %mul3A_3 : i32
    %scan3A = arith.constant 0 : i32
    %scan3A_5 = arith.constant 79 : i32
    %scan3A_6 = arith.addi %scan3A, %scan3A_5 : i32
    %scan3A_7 = arith.constant 1 : i32
    scf.for %scan3A_10 = %scan3A to %scan3A_6 step %scan3A_7  : i32 {
      %mul3A_11 = arith.constant 128 : i32
      %mul3A_12 = arith.muli %scan3A_10, %mul3A_11 : i32
      %add3A_13 = arith.constant 0 : i32
      %add3A_14 = arith.addi %add3A_13, %mul3A_12 : i32
      %add3A_15 = arith.addi %mul3A_4, %add3A_14 : i32
      "tpu.region"() ({
        %run_scoped3A = tpu.sem_alloc : memref<!tpu.dma_semaphore, #tpu.memory_space<semaphore_mem>>
        %dma_start3A_20 = tpu.memref_slice %arg2[%add3A_15] : memref<323584xi32, #tpu.memory_space<hbm>> -> memref<128xi32, #tpu.memory_space<hbm>>
        %dma_start3A_21 = tpu.memref_slice %arg2[%add3A_15] : memref<323584xi32, #tpu.memory_space<hbm>> -> memref<128xi32, #tpu.memory_space<hbm>>
        tpu.enqueue_dma source(%dma_start3A_21 : memref<128xi32, #tpu.memory_space<hbm>>) target(%arg7 : memref<128xi32, #tpu.memory_space<vmem>>) target_semaphore(%run_scoped3A : memref<!tpu.dma_semaphore, #tpu.memory_space<semaphore_mem>>)
        %dma_wait3A_22 = tpu.memref_slice %arg2[%add3A_15] : memref<323584xi32, #tpu.memory_space<hbm>> -> memref<128xi32, #tpu.memory_space<hbm>>
        %dma_wait3A_23 = tpu.memref_slice %arg2[%add3A_15] : memref<323584xi32, #tpu.memory_space<hbm>> -> memref<128xi32, #tpu.memory_space<hbm>>
        tpu.wait_dma2 semaphore(%run_scoped3A : memref<!tpu.dma_semaphore, #tpu.memory_space<semaphore_mem>>) src(%dma_wait3A_23 : memref<128xi32, #tpu.memory_space<hbm>>) dst(%arg7 : memref<128xi32, #tpu.memory_space<vmem>>)
        tpu.yield
      }) : () -> ()
      "tpu.region"() ({
        %run_scoped3A = tpu.sem_alloc : memref<!tpu.dma_semaphore, #tpu.memory_space<semaphore_mem>>
        %dma_start3A_20 = tpu.memref_slice %arg3[%add3A_15] : memref<323584xi32, #tpu.memory_space<hbm>> -> memref<128xi32, #tpu.memory_space<hbm>>
        %dma_start3A_21 = tpu.memref_slice %arg3[%add3A_15] : memref<323584xi32, #tpu.memory_space<hbm>> -> memref<128xi32, #tpu.memory_space<hbm>>
        tpu.enqueue_dma source(%dma_start3A_21 : memref<128xi32, #tpu.memory_space<hbm>>) target(%arg8 : memref<128xi32, #tpu.memory_space<vmem>>) target_semaphore(%run_scoped3A : memref<!tpu.dma_semaphore, #tpu.memory_space<semaphore_mem>>)
        %dma_wait3A_22 = tpu.memref_slice %arg3[%add3A_15] : memref<323584xi32, #tpu.memory_space<hbm>> -> memref<128xi32, #tpu.memory_space<hbm>>
        %dma_wait3A_23 = tpu.memref_slice %arg3[%add3A_15] : memref<323584xi32, #tpu.memory_space<hbm>> -> memref<128xi32, #tpu.memory_space<hbm>>
        tpu.wait_dma2 semaphore(%run_scoped3A : memref<!tpu.dma_semaphore, #tpu.memory_space<semaphore_mem>>) src(%dma_wait3A_23 : memref<128xi32, #tpu.memory_space<hbm>>) dst(%arg8 : memref<128xi32, #tpu.memory_space<vmem>>)
        tpu.yield
      }) : () -> ()
      %dma_start3A = arith.constant 0 : i32
      %dma_start3A_16 = arith.constant 0 : i32
      %dma_start3A_17 = tpu.memref_slice %arg4[%dma_start3A, %dma_start3A_16] : memref<10000x2xf32, #tpu.memory_space<hbm>> -> memref<10000x2xf32, #tpu.memory_space<hbm>>
      tpu.enqueue_indirect_dma source(%dma_start3A_17 : memref<10000x2xf32, #tpu.memory_space<hbm>>) target(%arg9 : memref<128x2xf32, #tpu.memory_space<vmem>>) offsets(%arg7 : memref<128xi32, #tpu.memory_space<vmem>>) semaphore(%arg11 : memref<!tpu.dma_semaphore, #tpu.memory_space<semaphore_mem>>)
      %dma_wait3A = arith.constant 0 : i32
      %dma_wait3A_18 = arith.constant 0 : i32
      %dma_wait3A_19 = tpu.memref_slice %arg4[%dma_wait3A, %dma_wait3A_18] : memref<10000x2xf32, #tpu.memory_space<hbm>> -> memref<10000x2xf32, #tpu.memory_space<hbm>>
      tpu.wait_indirect_dma semaphore(%arg11 : memref<!tpu.dma_semaphore, #tpu.memory_space<semaphore_mem>>) src(%dma_wait3A_19 : memref<10000x2xf32, #tpu.memory_space<hbm>>) dst(%arg9 : memref<128x2xf32, #tpu.memory_space<vmem>>)
      "tpu.region"() ({
        %run_scoped3A = tpu.sem_alloc : memref<!tpu.dma_semaphore, #tpu.memory_space<semaphore_mem>>
        %dma_start3A_20 = arith.constant 0 : i32
        %dma_start3A_21 = arith.constant 0 : i32
        %dma_start3A_22 = tpu.memref_slice %arg10[%dma_start3A_20, %dma_start3A_21] : memref<10240x2xf32, #tpu.memory_space<vmem_shared>> -> memref<10240x2xf32, #tpu.memory_space<vmem_shared>>
        tpu.enqueue_indirect_dma source(%arg9 : memref<128x2xf32, #tpu.memory_space<vmem>>) target(%dma_start3A_22 : memref<10240x2xf32, #tpu.memory_space<vmem_shared>>) offsets(%arg8 : memref<128xi32, #tpu.memory_space<vmem>>) semaphore(%run_scoped3A : memref<!tpu.dma_semaphore, #tpu.memory_space<semaphore_mem>>) {add = true}
        %dma_wait3A_23 = arith.constant 0 : i32
        %dma_wait3A_24 = arith.constant 0 : i32
        %dma_wait3A_25 = tpu.memref_slice %arg10[%dma_wait3A_23, %dma_wait3A_24] : memref<10240x2xf32, #tpu.memory_space<vmem_shared>> -> memref<10240x2xf32, #tpu.memory_space<vmem_shared>>
        tpu.wait_indirect_dma semaphore(%run_scoped3A : memref<!tpu.dma_semaphore, #tpu.memory_space<semaphore_mem>>) src(%arg9 : memref<128x2xf32, #tpu.memory_space<vmem>>) dst(%dma_wait3A_25 : memref<10240x2xf32, #tpu.memory_space<vmem_shared>>)
        tpu.yield
      }) : () -> ()
    }
    %scan3A_8 = arith.constant 79 : i32
    %barrier3A_9 = arith.constant 0 : index
    tpu.barrier barrier_id(%barrier3A_9)
    "tpu.region"() ({
      %run_scoped3A = tpu.sem_alloc : memref<!tpu.dma_semaphore, #tpu.memory_space<semaphore_mem>>
      %dma_start3A = arith.constant 0 : i32
      %dma_start3A_10 = tpu.memref_slice %arg6[%arg0, %mul3A_2, %dma_start3A] : memref<2x10240x2xf32, #tpu.memory_space<hbm>> -> memref<1x640x2xf32, #tpu.memory_space<hbm>>
      %dma_start3A_11 = tpu.memref_squeeze %dma_start3A_10 : memref<1x640x2xf32, #tpu.memory_space<hbm>> -> memref<640x2xf32, #tpu.memory_space<hbm>>
      %dma_start3A_12 = arith.constant 0 : i32
      %dma_start3A_13 = tpu.memref_slice %arg10[%mul3A_2, %dma_start3A_12] : memref<10240x2xf32, #tpu.memory_space<vmem_shared>> -> memref<640x2xf32, #tpu.memory_space<vmem_shared>>
      tpu.enqueue_dma source(%dma_start3A_13 : memref<640x2xf32, #tpu.memory_space<vmem_shared>>) target(%dma_start3A_11 : memref<640x2xf32, #tpu.memory_space<hbm>>) target_semaphore(%run_scoped3A : memref<!tpu.dma_semaphore, #tpu.memory_space<semaphore_mem>>)
      %dma_wait3A = arith.constant 0 : i32
      %dma_wait3A_14 = tpu.memref_slice %arg6[%arg0, %mul3A_2, %dma_wait3A] : memref<2x10240x2xf32, #tpu.memory_space<hbm>> -> memref<1x640x2xf32, #tpu.memory_space<hbm>>
      %dma_wait3A_15 = tpu.memref_squeeze %dma_wait3A_14 : memref<1x640x2xf32, #tpu.memory_space<hbm>> -> memref<640x2xf32, #tpu.memory_space<hbm>>
      %dma_wait3A_16 = arith.constant 0 : i32
      %dma_wait3A_17 = tpu.memref_slice %arg10[%mul3A_2, %dma_wait3A_16] : memref<10240x2xf32, #tpu.memory_space<vmem_shared>> -> memref<640x2xf32, #tpu.memory_space<vmem_shared>>
      tpu.wait_dma2 semaphore(%run_scoped3A : memref<!tpu.dma_semaphore, #tpu.memory_space<semaphore_mem>>) src(%dma_wait3A_17 : memref<640x2xf32, #tpu.memory_space<vmem_shared>>) dst(%dma_wait3A_15 : memref<640x2xf32, #tpu.memory_space<hbm>>)
      tpu.yield
    }) : () -> ()
    return
  }
}

#map = affine_map<(d0, d1) -> (0)>
#map1 = affine_map<(d0, d1) -> (0, 0)>
#map2 = affine_map<(d0, d1) -> (0, 0, 0)>
module attributes {stable_mosaic.version = 14 : i64} {
  func.func @edge_pass(%arg0: i32, %arg1: i32, %arg2: memref<323584xi32, #tpu.memory_space<hbm>>, %arg3: memref<323584xi32, #tpu.memory_space<hbm>>, %arg4: memref<10000x4xf32, #tpu.memory_space<hbm>>, %arg5: memref<10240x4xf32, #tpu.memory_space<hbm>>, %arg6: memref<2x10240x4xf32, #tpu.memory_space<hbm>>, %arg7: memref<128xi32, #tpu.memory_space<vmem>>, %arg8: memref<128xi32, #tpu.memory_space<vmem>>, %arg9: memref<128x4xf32, #tpu.memory_space<vmem>>, %arg10: memref<10240x4xf32, #tpu.memory_space<vmem_shared>>, %arg11: memref<!tpu.dma_semaphore, #tpu.memory_space<semaphore_mem>>) attributes {dimension_semantics = [#tpu.dimension_semantics<core_parallel>, #tpu.dimension_semantics<subcore_parallel>], iteration_bounds = array<i64: 2, 16>, scalar_prefetch = 0 : i64, scratch_operands = 5 : i64, tpu.core_type = #tpu.core_type<sc_vector_subcore>, window_params = [{transform_indices = #map}, {transform_indices = #map}, {transform_indices = #map1}, {transform_indices = #map1}, {transform_indices = #map2}]} {
    %mul3A = arith.constant 16 : i32
    %mul3A_0 = arith.muli %arg0, %mul3A : i32
    %add3A = arith.addi %mul3A_0, %arg1 : i32
    %mul3A_1 = arith.constant 640 : i32
    %mul3A_2 = arith.muli %arg1, %mul3A_1 : i32
    "tpu.region"() ({
      %run_scoped3A = tpu.sem_alloc : memref<!tpu.dma_semaphore, #tpu.memory_space<semaphore_mem>>
      %dma_start3A = arith.constant 0 : i32
      %dma_start3A_10 = tpu.memref_slice %arg10[%mul3A_2, %dma_start3A] : memref<10240x4xf32, #tpu.memory_space<vmem_shared>> -> memref<640x4xf32, #tpu.memory_space<vmem_shared>>
      %dma_start3A_11 = arith.constant 0 : i32
      %dma_start3A_12 = tpu.memref_slice %arg5[%mul3A_2, %dma_start3A_11] : memref<10240x4xf32, #tpu.memory_space<hbm>> -> memref<640x4xf32, #tpu.memory_space<hbm>>
      tpu.enqueue_dma source(%dma_start3A_12 : memref<640x4xf32, #tpu.memory_space<hbm>>) target(%dma_start3A_10 : memref<640x4xf32, #tpu.memory_space<vmem_shared>>) target_semaphore(%run_scoped3A : memref<!tpu.dma_semaphore, #tpu.memory_space<semaphore_mem>>)
      %dma_wait3A = arith.constant 0 : i32
      %dma_wait3A_13 = tpu.memref_slice %arg10[%mul3A_2, %dma_wait3A] : memref<10240x4xf32, #tpu.memory_space<vmem_shared>> -> memref<640x4xf32, #tpu.memory_space<vmem_shared>>
      %dma_wait3A_14 = arith.constant 0 : i32
      %dma_wait3A_15 = tpu.memref_slice %arg5[%mul3A_2, %dma_wait3A_14] : memref<10240x4xf32, #tpu.memory_space<hbm>> -> memref<640x4xf32, #tpu.memory_space<hbm>>
      tpu.wait_dma2 semaphore(%run_scoped3A : memref<!tpu.dma_semaphore, #tpu.memory_space<semaphore_mem>>) src(%dma_wait3A_15 : memref<640x4xf32, #tpu.memory_space<hbm>>) dst(%dma_wait3A_13 : memref<640x4xf32, #tpu.memory_space<vmem_shared>>)
      tpu.yield
    }) : () -> ()
    %barrier3A = arith.constant 0 : index
    tpu.barrier barrier_id(%barrier3A)
    %mul3A_3 = arith.constant 10112 : i32
    %mul3A_4 = arith.muli %add3A, %mul3A_3 : i32
    %scan3A = arith.constant 0 : i32
    %scan3A_5 = arith.constant 79 : i32
    %scan3A_6 = arith.addi %scan3A, %scan3A_5 : i32
    %scan3A_7 = arith.constant 1 : i32
    scf.for %scan3A_10 = %scan3A to %scan3A_6 step %scan3A_7  : i32 {
      %mul3A_11 = arith.constant 128 : i32
      %mul3A_12 = arith.muli %scan3A_10, %mul3A_11 : i32
      %add3A_13 = arith.constant 0 : i32
      %add3A_14 = arith.addi %add3A_13, %mul3A_12 : i32
      %add3A_15 = arith.addi %mul3A_4, %add3A_14 : i32
      "tpu.region"() ({
        %run_scoped3A = tpu.sem_alloc : memref<!tpu.dma_semaphore, #tpu.memory_space<semaphore_mem>>
        %dma_start3A_20 = tpu.memref_slice %arg2[%add3A_15] : memref<323584xi32, #tpu.memory_space<hbm>> -> memref<128xi32, #tpu.memory_space<hbm>>
        %dma_start3A_21 = tpu.memref_slice %arg2[%add3A_15] : memref<323584xi32, #tpu.memory_space<hbm>> -> memref<128xi32, #tpu.memory_space<hbm>>
        tpu.enqueue_dma source(%dma_start3A_21 : memref<128xi32, #tpu.memory_space<hbm>>) target(%arg7 : memref<128xi32, #tpu.memory_space<vmem>>) target_semaphore(%run_scoped3A : memref<!tpu.dma_semaphore, #tpu.memory_space<semaphore_mem>>)
        %dma_wait3A_22 = tpu.memref_slice %arg2[%add3A_15] : memref<323584xi32, #tpu.memory_space<hbm>> -> memref<128xi32, #tpu.memory_space<hbm>>
        %dma_wait3A_23 = tpu.memref_slice %arg2[%add3A_15] : memref<323584xi32, #tpu.memory_space<hbm>> -> memref<128xi32, #tpu.memory_space<hbm>>
        tpu.wait_dma2 semaphore(%run_scoped3A : memref<!tpu.dma_semaphore, #tpu.memory_space<semaphore_mem>>) src(%dma_wait3A_23 : memref<128xi32, #tpu.memory_space<hbm>>) dst(%arg7 : memref<128xi32, #tpu.memory_space<vmem>>)
        tpu.yield
      }) : () -> ()
      "tpu.region"() ({
        %run_scoped3A = tpu.sem_alloc : memref<!tpu.dma_semaphore, #tpu.memory_space<semaphore_mem>>
        %dma_start3A_20 = tpu.memref_slice %arg3[%add3A_15] : memref<323584xi32, #tpu.memory_space<hbm>> -> memref<128xi32, #tpu.memory_space<hbm>>
        %dma_start3A_21 = tpu.memref_slice %arg3[%add3A_15] : memref<323584xi32, #tpu.memory_space<hbm>> -> memref<128xi32, #tpu.memory_space<hbm>>
        tpu.enqueue_dma source(%dma_start3A_21 : memref<128xi32, #tpu.memory_space<hbm>>) target(%arg8 : memref<128xi32, #tpu.memory_space<vmem>>) target_semaphore(%run_scoped3A : memref<!tpu.dma_semaphore, #tpu.memory_space<semaphore_mem>>)
        %dma_wait3A_22 = tpu.memref_slice %arg3[%add3A_15] : memref<323584xi32, #tpu.memory_space<hbm>> -> memref<128xi32, #tpu.memory_space<hbm>>
        %dma_wait3A_23 = tpu.memref_slice %arg3[%add3A_15] : memref<323584xi32, #tpu.memory_space<hbm>> -> memref<128xi32, #tpu.memory_space<hbm>>
        tpu.wait_dma2 semaphore(%run_scoped3A : memref<!tpu.dma_semaphore, #tpu.memory_space<semaphore_mem>>) src(%dma_wait3A_23 : memref<128xi32, #tpu.memory_space<hbm>>) dst(%arg8 : memref<128xi32, #tpu.memory_space<vmem>>)
        tpu.yield
      }) : () -> ()
      %dma_start3A = arith.constant 0 : i32
      %dma_start3A_16 = arith.constant 0 : i32
      %dma_start3A_17 = tpu.memref_slice %arg4[%dma_start3A, %dma_start3A_16] : memref<10000x4xf32, #tpu.memory_space<hbm>> -> memref<10000x4xf32, #tpu.memory_space<hbm>>
      tpu.enqueue_indirect_dma source(%dma_start3A_17 : memref<10000x4xf32, #tpu.memory_space<hbm>>) target(%arg9 : memref<128x4xf32, #tpu.memory_space<vmem>>) offsets(%arg7 : memref<128xi32, #tpu.memory_space<vmem>>) semaphore(%arg11 : memref<!tpu.dma_semaphore, #tpu.memory_space<semaphore_mem>>)
      %dma_wait3A = arith.constant 0 : i32
      %dma_wait3A_18 = arith.constant 0 : i32
      %dma_wait3A_19 = tpu.memref_slice %arg4[%dma_wait3A, %dma_wait3A_18] : memref<10000x4xf32, #tpu.memory_space<hbm>> -> memref<10000x4xf32, #tpu.memory_space<hbm>>
      tpu.wait_indirect_dma semaphore(%arg11 : memref<!tpu.dma_semaphore, #tpu.memory_space<semaphore_mem>>) src(%dma_wait3A_19 : memref<10000x4xf32, #tpu.memory_space<hbm>>) dst(%arg9 : memref<128x4xf32, #tpu.memory_space<vmem>>)
      "tpu.region"() ({
        %run_scoped3A = tpu.sem_alloc : memref<!tpu.dma_semaphore, #tpu.memory_space<semaphore_mem>>
        %dma_start3A_20 = arith.constant 0 : i32
        %dma_start3A_21 = arith.constant 0 : i32
        %dma_start3A_22 = tpu.memref_slice %arg10[%dma_start3A_20, %dma_start3A_21] : memref<10240x4xf32, #tpu.memory_space<vmem_shared>> -> memref<10240x4xf32, #tpu.memory_space<vmem_shared>>
        tpu.enqueue_indirect_dma source(%arg9 : memref<128x4xf32, #tpu.memory_space<vmem>>) target(%dma_start3A_22 : memref<10240x4xf32, #tpu.memory_space<vmem_shared>>) offsets(%arg8 : memref<128xi32, #tpu.memory_space<vmem>>) semaphore(%run_scoped3A : memref<!tpu.dma_semaphore, #tpu.memory_space<semaphore_mem>>) {add = true}
        %dma_wait3A_23 = arith.constant 0 : i32
        %dma_wait3A_24 = arith.constant 0 : i32
        %dma_wait3A_25 = tpu.memref_slice %arg10[%dma_wait3A_23, %dma_wait3A_24] : memref<10240x4xf32, #tpu.memory_space<vmem_shared>> -> memref<10240x4xf32, #tpu.memory_space<vmem_shared>>
        tpu.wait_indirect_dma semaphore(%run_scoped3A : memref<!tpu.dma_semaphore, #tpu.memory_space<semaphore_mem>>) src(%arg9 : memref<128x4xf32, #tpu.memory_space<vmem>>) dst(%dma_wait3A_25 : memref<10240x4xf32, #tpu.memory_space<vmem_shared>>)
        tpu.yield
      }) : () -> ()
    }
    %scan3A_8 = arith.constant 79 : i32
    %barrier3A_9 = arith.constant 0 : index
    tpu.barrier barrier_id(%barrier3A_9)
    "tpu.region"() ({
      %run_scoped3A = tpu.sem_alloc : memref<!tpu.dma_semaphore, #tpu.memory_space<semaphore_mem>>
      %dma_start3A = arith.constant 0 : i32
      %dma_start3A_10 = tpu.memref_slice %arg6[%arg0, %mul3A_2, %dma_start3A] : memref<2x10240x4xf32, #tpu.memory_space<hbm>> -> memref<1x640x4xf32, #tpu.memory_space<hbm>>
      %dma_start3A_11 = tpu.memref_squeeze %dma_start3A_10 : memref<1x640x4xf32, #tpu.memory_space<hbm>> -> memref<640x4xf32, #tpu.memory_space<hbm>>
      %dma_start3A_12 = arith.constant 0 : i32
      %dma_start3A_13 = tpu.memref_slice %arg10[%mul3A_2, %dma_start3A_12] : memref<10240x4xf32, #tpu.memory_space<vmem_shared>> -> memref<640x4xf32, #tpu.memory_space<vmem_shared>>
      tpu.enqueue_dma source(%dma_start3A_13 : memref<640x4xf32, #tpu.memory_space<vmem_shared>>) target(%dma_start3A_11 : memref<640x4xf32, #tpu.memory_space<hbm>>) target_semaphore(%run_scoped3A : memref<!tpu.dma_semaphore, #tpu.memory_space<semaphore_mem>>)
      %dma_wait3A = arith.constant 0 : i32
      %dma_wait3A_14 = tpu.memref_slice %arg6[%arg0, %mul3A_2, %dma_wait3A] : memref<2x10240x4xf32, #tpu.memory_space<hbm>> -> memref<1x640x4xf32, #tpu.memory_space<hbm>>
      %dma_wait3A_15 = tpu.memref_squeeze %dma_wait3A_14 : memref<1x640x4xf32, #tpu.memory_space<hbm>> -> memref<640x4xf32, #tpu.memory_space<hbm>>
      %dma_wait3A_16 = arith.constant 0 : i32
      %dma_wait3A_17 = tpu.memref_slice %arg10[%mul3A_2, %dma_wait3A_16] : memref<10240x4xf32, #tpu.memory_space<vmem_shared>> -> memref<640x4xf32, #tpu.memory_space<vmem_shared>>
      tpu.wait_dma2 semaphore(%run_scoped3A : memref<!tpu.dma_semaphore, #tpu.memory_space<semaphore_mem>>) src(%dma_wait3A_17 : memref<640x4xf32, #tpu.memory_space<vmem_shared>>) dst(%dma_wait3A_15 : memref<640x4xf32, #tpu.memory_space<hbm>>)
      tpu.yield
    }) : () -> ()
    return
  }
}

module attributes {stable_mosaic.version = 14 : i64} {
  func.func @body(%arg0: memref<10000x128xf32, #tpu.memory_space<vmem>>, %arg1: memref<128x4xf32, #tpu.memory_space<vmem>>, %arg2: memref<10000x4xf32, #tpu.memory_space<vmem>>) attributes {dimension_semantics = [], scalar_prefetch = 0 : i64, scratch_operands = 0 : i64, tpu.core_type = #tpu.core_type<tc>} {
    %get3A = arith.constant 0 : index
    %get3A_0 = arith.constant 0 : index
    %get3A_1 = vector.load %arg0[%get3A, %get3A_0] : memref<10000x128xf32, #tpu.memory_space<vmem>>, vector<10000x128xf32>
    %get3A_2 = arith.constant 0 : index
    %get3A_3 = arith.constant 0 : index
    %get3A_4 = vector.load %arg1[%get3A_2, %get3A_3] : memref<128x4xf32, #tpu.memory_space<vmem>>, vector<128x4xf32>
    %dot_general3A = arith.constant dense<0.000000e+00> : vector<10000x4xf32>
    %dot_general3A_5 = tpu.matmul %get3A_1, %get3A_4, %dot_general3A {dimension_numbers = #tpu.dot_dimension_numbers<[1], [0], [0], [1], [0, 0, 1, 1], [], []>, transpose_lhs_hint = false} : vector<10000x128xf32>, vector<128x4xf32>, vector<10000x4xf32> -> vector<10000x4xf32>
    %swap3A = arith.constant 0 : index
    %swap3A_6 = arith.constant 0 : index
    %swap3A_7 = vector.load %arg2[%swap3A, %swap3A_6] : memref<10000x4xf32, #tpu.memory_space<vmem>>, vector<10000x4xf32>
    tpu.vector_store %arg2[%swap3A, %swap3A_6], %dot_general3A_5 {strides = array<i32>} : memref<10000x4xf32, #tpu.memory_space<vmem>>, vector<10000x4xf32>,
    return
  }
}

module attributes {stable_mosaic.version = 14 : i64} {
  func.func @body(%arg0: memref<2x10240x1xf32, #tpu.memory_space<vmem>>, %arg1: memref<10000x4xf32, #tpu.memory_space<vmem>>, %arg2: memref<10000x4xf32, #tpu.memory_space<vmem>>, %arg3: memref<10000x1xf32, #tpu.memory_space<vmem>>) attributes {dimension_semantics = [], scalar_prefetch = 0 : i64, scratch_operands = 0 : i64, tpu.core_type = #tpu.core_type<tc>} {
    %get3A = arith.constant 0 : index
    %get3A_0 = arith.constant 0 : index
    %get3A_1 = arith.constant 0 : index
    %get3A_2 = vector.load %arg0[%get3A, %get3A_0, %get3A_1] : memref<2x10240x1xf32, #tpu.memory_space<vmem>>, vector<2x10240x1xf32>
    %slice3A = vector.extract_strided_slice %get3A_2 {offsets = [0, 0, 0], sizes = [1, 10240, 1], strides = [1, 1, 1]} : vector<2x10240x1xf32> to vector<1x10240x1xf32>
    %squeeze3A = vector.shape_cast %slice3A : vector<1x10240x1xf32> to vector<10240x1xf32>
    %slice3A_3 = vector.extract_strided_slice %get3A_2 {offsets = [1, 0, 0], sizes = [1, 10240, 1], strides = [1, 1, 1]} : vector<2x10240x1xf32> to vector<1x10240x1xf32>
    %squeeze3A_4 = vector.shape_cast %slice3A_3 : vector<1x10240x1xf32> to vector<10240x1xf32>
    %add3A = arith.addf %squeeze3A, %squeeze3A_4 : vector<10240x1xf32>
    %add3A_5 = arith.constant 1.000000e+00 : f32
    %add3A_6 = vector.broadcast %add3A_5 : f32 to vector<10240x1xf32>
    %add3A_7 = arith.addf %add3A, %add3A_6 : vector<10240x1xf32>
    %rsqrt3A = math.rsqrt %add3A_7 : vector<10240x1xf32>
    %slice3A_8 = vector.extract_strided_slice %rsqrt3A {offsets = [0, 0], sizes = [10000, 1], strides = [1, 1]} : vector<10240x1xf32> to vector<10000x1xf32>
    %swap3A = arith.constant 0 : index
    %swap3A_9 = arith.constant 0 : index
    %swap3A_10 = vector.load %arg3[%swap3A, %swap3A_9] : memref<10000x1xf32, #tpu.memory_space<vmem>>, vector<10000x1xf32>
    tpu.vector_store %arg3[%swap3A, %swap3A_9], %slice3A_8 {strides = array<i32>} : memref<10000x1xf32, #tpu.memory_space<vmem>>, vector<10000x1xf32>,
    %get3A_11 = arith.constant 0 : index
    %get3A_12 = arith.constant 0 : index
    %get3A_13 = vector.load %arg1[%get3A_11, %get3A_12] : memref<10000x4xf32, #tpu.memory_space<vmem>>, vector<10000x4xf32>
    %mul3A = vector.broadcast %slice3A_8 : vector<10000x1xf32> to vector<10000x4xf32>
    %mul3A_14 = arith.mulf %get3A_13, %mul3A : vector<10000x4xf32>
    %swap3A_15 = arith.constant 0 : index
    %swap3A_16 = arith.constant 0 : index
    %swap3A_17 = vector.load %arg2[%swap3A_15, %swap3A_16] : memref<10000x4xf32, #tpu.memory_space<vmem>>, vector<10000x4xf32>
    tpu.vector_store %arg2[%swap3A_15, %swap3A_16], %mul3A_14 {strides = array<i32>} : memref<10000x4xf32, #tpu.memory_space<vmem>>, vector<10000x4xf32>,
    return
  }
}

module attributes {stable_mosaic.version = 14 : i64} {
  func.func @body(%arg0: memref<2x10240x4xf32, #tpu.memory_space<vmem>>, %arg1: memref<10000x4xf32, #tpu.memory_space<vmem>>, %arg2: memref<10000x1xf32, #tpu.memory_space<vmem>>, %arg3: memref<4x4xf32, #tpu.memory_space<vmem>>, %arg4: memref<1x4xf32, #tpu.memory_space<vmem>>, %arg5: memref<10000x4xf32, #tpu.memory_space<vmem>>) attributes {dimension_semantics = [], scalar_prefetch = 0 : i64, scratch_operands = 0 : i64, tpu.core_type = #tpu.core_type<tc>} {
    %get3A = arith.constant 0 : index
    %get3A_0 = arith.constant 0 : index
    %get3A_1 = arith.constant 0 : index
    %get3A_2 = vector.load %arg0[%get3A, %get3A_0, %get3A_1] : memref<2x10240x4xf32, #tpu.memory_space<vmem>>, vector<2x10240x4xf32>
    %slice3A = vector.extract_strided_slice %get3A_2 {offsets = [0, 0, 0], sizes = [1, 10000, 4], strides = [1, 1, 1]} : vector<2x10240x4xf32> to vector<1x10000x4xf32>
    %squeeze3A = vector.shape_cast %slice3A : vector<1x10000x4xf32> to vector<10000x4xf32>
    %slice3A_3 = vector.extract_strided_slice %get3A_2 {offsets = [1, 0, 0], sizes = [1, 10000, 4], strides = [1, 1, 1]} : vector<2x10240x4xf32> to vector<1x10000x4xf32>
    %squeeze3A_4 = vector.shape_cast %slice3A_3 : vector<1x10000x4xf32> to vector<10000x4xf32>
    %add3A = arith.addf %squeeze3A, %squeeze3A_4 : vector<10000x4xf32>
    %get3A_5 = arith.constant 0 : index
    %get3A_6 = arith.constant 0 : index
    %get3A_7 = vector.load %arg1[%get3A_5, %get3A_6] : memref<10000x4xf32, #tpu.memory_space<vmem>>, vector<10000x4xf32>
    %add3A_8 = arith.addf %add3A, %get3A_7 : vector<10000x4xf32>
    %get3A_9 = arith.constant 0 : index
    %get3A_10 = arith.constant 0 : index
    %get3A_11 = vector.load %arg2[%get3A_9, %get3A_10] : memref<10000x1xf32, #tpu.memory_space<vmem>>, vector<10000x1xf32>
    %mul3A = vector.broadcast %get3A_11 : vector<10000x1xf32> to vector<10000x4xf32>
    %mul3A_12 = arith.mulf %add3A_8, %mul3A : vector<10000x4xf32>
    %get3A_13 = arith.constant 0 : index
    %get3A_14 = arith.constant 0 : index
    %get3A_15 = vector.load %arg4[%get3A_13, %get3A_14] : memref<1x4xf32, #tpu.memory_space<vmem>>, vector<1x4xf32>
    %add3A_16 = vector.broadcast %get3A_15 : vector<1x4xf32> to vector<10000x4xf32>
    %add3A_17 = arith.addf %mul3A_12, %add3A_16 : vector<10000x4xf32>
    %tanh3A = math.tanh %add3A_17 : vector<10000x4xf32>
    %get3A_18 = arith.constant 0 : index
    %get3A_19 = arith.constant 0 : index
    %get3A_20 = vector.load %arg3[%get3A_18, %get3A_19] : memref<4x4xf32, #tpu.memory_space<vmem>>, vector<4x4xf32>
    %dot_general3A = arith.constant dense<0.000000e+00> : vector<10000x4xf32>
    %dot_general3A_21 = tpu.matmul %tanh3A, %get3A_20, %dot_general3A {dimension_numbers = #tpu.dot_dimension_numbers<[1], [0], [0], [1], [0, 0, 1, 1], [], []>, transpose_lhs_hint = false} : vector<10000x4xf32>, vector<4x4xf32>, vector<10000x4xf32> -> vector<10000x4xf32>
    %mul3A_22 = vector.broadcast %get3A_11 : vector<10000x1xf32> to vector<10000x4xf32>
    %mul3A_23 = arith.mulf %dot_general3A_21, %mul3A_22 : vector<10000x4xf32>
    %swap3A = arith.constant 0 : index
    %swap3A_24 = arith.constant 0 : index
    %swap3A_25 = vector.load %arg5[%swap3A, %swap3A_24] : memref<10000x4xf32, #tpu.memory_space<vmem>>, vector<10000x4xf32>
    tpu.vector_store %arg5[%swap3A, %swap3A_24], %mul3A_23 {strides = array<i32>} : memref<10000x4xf32, #tpu.memory_space<vmem>>, vector<10000x4xf32>,
    return
  }
}

module attributes {stable_mosaic.version = 14 : i64} {
  func.func @body(%arg0: memref<2x10240x4xf32, #tpu.memory_space<vmem>>, %arg1: memref<10000x4xf32, #tpu.memory_space<vmem>>, %arg2: memref<10000x1xf32, #tpu.memory_space<vmem>>, %arg3: memref<4x2xf32, #tpu.memory_space<vmem>>, %arg4: memref<1x4xf32, #tpu.memory_space<vmem>>, %arg5: memref<10000x2xf32, #tpu.memory_space<vmem>>) attributes {dimension_semantics = [], scalar_prefetch = 0 : i64, scratch_operands = 0 : i64, tpu.core_type = #tpu.core_type<tc>} {
    %get3A = arith.constant 0 : index
    %get3A_0 = arith.constant 0 : index
    %get3A_1 = arith.constant 0 : index
    %get3A_2 = vector.load %arg0[%get3A, %get3A_0, %get3A_1] : memref<2x10240x4xf32, #tpu.memory_space<vmem>>, vector<2x10240x4xf32>
    %slice3A = vector.extract_strided_slice %get3A_2 {offsets = [0, 0, 0], sizes = [1, 10000, 4], strides = [1, 1, 1]} : vector<2x10240x4xf32> to vector<1x10000x4xf32>
    %squeeze3A = vector.shape_cast %slice3A : vector<1x10000x4xf32> to vector<10000x4xf32>
    %slice3A_3 = vector.extract_strided_slice %get3A_2 {offsets = [1, 0, 0], sizes = [1, 10000, 4], strides = [1, 1, 1]} : vector<2x10240x4xf32> to vector<1x10000x4xf32>
    %squeeze3A_4 = vector.shape_cast %slice3A_3 : vector<1x10000x4xf32> to vector<10000x4xf32>
    %add3A = arith.addf %squeeze3A, %squeeze3A_4 : vector<10000x4xf32>
    %get3A_5 = arith.constant 0 : index
    %get3A_6 = arith.constant 0 : index
    %get3A_7 = vector.load %arg1[%get3A_5, %get3A_6] : memref<10000x4xf32, #tpu.memory_space<vmem>>, vector<10000x4xf32>
    %add3A_8 = arith.addf %add3A, %get3A_7 : vector<10000x4xf32>
    %get3A_9 = arith.constant 0 : index
    %get3A_10 = arith.constant 0 : index
    %get3A_11 = vector.load %arg2[%get3A_9, %get3A_10] : memref<10000x1xf32, #tpu.memory_space<vmem>>, vector<10000x1xf32>
    %mul3A = vector.broadcast %get3A_11 : vector<10000x1xf32> to vector<10000x4xf32>
    %mul3A_12 = arith.mulf %add3A_8, %mul3A : vector<10000x4xf32>
    %get3A_13 = arith.constant 0 : index
    %get3A_14 = arith.constant 0 : index
    %get3A_15 = vector.load %arg4[%get3A_13, %get3A_14] : memref<1x4xf32, #tpu.memory_space<vmem>>, vector<1x4xf32>
    %add3A_16 = vector.broadcast %get3A_15 : vector<1x4xf32> to vector<10000x4xf32>
    %add3A_17 = arith.addf %mul3A_12, %add3A_16 : vector<10000x4xf32>
    %tanh3A = math.tanh %add3A_17 : vector<10000x4xf32>
    %get3A_18 = arith.constant 0 : index
    %get3A_19 = arith.constant 0 : index
    %get3A_20 = vector.load %arg3[%get3A_18, %get3A_19] : memref<4x2xf32, #tpu.memory_space<vmem>>, vector<4x2xf32>
    %dot_general3A = arith.constant dense<0.000000e+00> : vector<10000x2xf32>
    %dot_general3A_21 = tpu.matmul %tanh3A, %get3A_20, %dot_general3A {dimension_numbers = #tpu.dot_dimension_numbers<[1], [0], [0], [1], [0, 0, 1, 1], [], []>, transpose_lhs_hint = false} : vector<10000x4xf32>, vector<4x2xf32>, vector<10000x2xf32> -> vector<10000x2xf32>
    %mul3A_22 = vector.broadcast %get3A_11 : vector<10000x1xf32> to vector<10000x2xf32>
    %mul3A_23 = arith.mulf %dot_general3A_21, %mul3A_22 : vector<10000x2xf32>
    %swap3A = arith.constant 0 : index
    %swap3A_24 = arith.constant 0 : index
    %swap3A_25 = vector.load %arg5[%swap3A, %swap3A_24] : memref<10000x2xf32, #tpu.memory_space<vmem>>, vector<10000x2xf32>
    tpu.vector_store %arg5[%swap3A, %swap3A_24], %mul3A_23 {strides = array<i32>} : memref<10000x2xf32, #tpu.memory_space<vmem>>, vector<10000x2xf32>,
    return
  }
}

module attributes {stable_mosaic.version = 14 : i64} {
  func.func @body(%arg0: memref<2x10240x2xf32, #tpu.memory_space<vmem>>, %arg1: memref<10000x2xf32, #tpu.memory_space<vmem>>, %arg2: memref<10000x1xf32, #tpu.memory_space<vmem>>, %arg3: memref<1x2xf32, #tpu.memory_space<vmem>>, %arg4: memref<2x16xf32, #tpu.memory_space<vmem>>, %arg5: memref<1x16xf32, #tpu.memory_space<vmem>>, %arg6: memref<10000x16xf32, #tpu.memory_space<vmem>>, %arg7: memref<10000x2xf32, #tpu.memory_space<vmem>>) attributes {dimension_semantics = [], scalar_prefetch = 0 : i64, scratch_operands = 0 : i64, tpu.core_type = #tpu.core_type<tc>} {
    %get3A = arith.constant 0 : index
    %get3A_0 = arith.constant 0 : index
    %get3A_1 = arith.constant 0 : index
    %get3A_2 = vector.load %arg0[%get3A, %get3A_0, %get3A_1] : memref<2x10240x2xf32, #tpu.memory_space<vmem>>, vector<2x10240x2xf32>
    %slice3A = vector.extract_strided_slice %get3A_2 {offsets = [0, 0, 0], sizes = [1, 10000, 2], strides = [1, 1, 1]} : vector<2x10240x2xf32> to vector<1x10000x2xf32>
    %squeeze3A = vector.shape_cast %slice3A : vector<1x10000x2xf32> to vector<10000x2xf32>
    %slice3A_3 = vector.extract_strided_slice %get3A_2 {offsets = [1, 0, 0], sizes = [1, 10000, 2], strides = [1, 1, 1]} : vector<2x10240x2xf32> to vector<1x10000x2xf32>
    %squeeze3A_4 = vector.shape_cast %slice3A_3 : vector<1x10000x2xf32> to vector<10000x2xf32>
    %add3A = arith.addf %squeeze3A, %squeeze3A_4 : vector<10000x2xf32>
    %get3A_5 = arith.constant 0 : index
    %get3A_6 = arith.constant 0 : index
    %get3A_7 = vector.load %arg1[%get3A_5, %get3A_6] : memref<10000x2xf32, #tpu.memory_space<vmem>>, vector<10000x2xf32>
    %add3A_8 = arith.addf %add3A, %get3A_7 : vector<10000x2xf32>
    %get3A_9 = arith.constant 0 : index
    %get3A_10 = arith.constant 0 : index
    %get3A_11 = vector.load %arg2[%get3A_9, %get3A_10] : memref<10000x1xf32, #tpu.memory_space<vmem>>, vector<10000x1xf32>
    %mul3A = vector.broadcast %get3A_11 : vector<10000x1xf32> to vector<10000x2xf32>
    %mul3A_12 = arith.mulf %add3A_8, %mul3A : vector<10000x2xf32>
    %get3A_13 = arith.constant 0 : index
    %get3A_14 = arith.constant 0 : index
    %get3A_15 = vector.load %arg3[%get3A_13, %get3A_14] : memref<1x2xf32, #tpu.memory_space<vmem>>, vector<1x2xf32>
    %add3A_16 = vector.broadcast %get3A_15 : vector<1x2xf32> to vector<10000x2xf32>
    %add3A_17 = arith.addf %mul3A_12, %add3A_16 : vector<10000x2xf32>
    %tanh3A = math.tanh %add3A_17 : vector<10000x2xf32>
    %swap3A = arith.constant 0 : index
    %swap3A_18 = arith.constant 0 : index
    %swap3A_19 = vector.load %arg7[%swap3A, %swap3A_18] : memref<10000x2xf32, #tpu.memory_space<vmem>>, vector<10000x2xf32>
    tpu.vector_store %arg7[%swap3A, %swap3A_18], %tanh3A {strides = array<i32>} : memref<10000x2xf32, #tpu.memory_space<vmem>>, vector<10000x2xf32>,
    %get3A_20 = arith.constant 0 : index
    %get3A_21 = arith.constant 0 : index
    %get3A_22 = vector.load %arg4[%get3A_20, %get3A_21] : memref<2x16xf32, #tpu.memory_space<vmem>>, vector<2x16xf32>
    %dot_general3A = arith.constant dense<0.000000e+00> : vector<10000x16xf32>
    %dot_general3A_23 = tpu.matmul %tanh3A, %get3A_22, %dot_general3A {dimension_numbers = #tpu.dot_dimension_numbers<[1], [0], [0], [1], [0, 0, 1, 1], [], []>, transpose_lhs_hint = false} : vector<10000x2xf32>, vector<2x16xf32>, vector<10000x16xf32> -> vector<10000x16xf32>
    %get3A_24 = arith.constant 0 : index
    %get3A_25 = arith.constant 0 : index
    %get3A_26 = vector.load %arg5[%get3A_24, %get3A_25] : memref<1x16xf32, #tpu.memory_space<vmem>>, vector<1x16xf32>
    %add3A_27 = vector.broadcast %get3A_26 : vector<1x16xf32> to vector<10000x16xf32>
    %add3A_28 = arith.addf %dot_general3A_23, %add3A_27 : vector<10000x16xf32>
    %swap3A_29 = arith.constant 0 : index
    %swap3A_30 = arith.constant 0 : index
    %swap3A_31 = vector.load %arg6[%swap3A_29, %swap3A_30] : memref<10000x16xf32, #tpu.memory_space<vmem>>, vector<10000x16xf32>
    tpu.vector_store %arg6[%swap3A_29, %swap3A_30], %add3A_28 {strides = array<i32>} : memref<10000x16xf32, #tpu.memory_space<vmem>>, vector<10000x16xf32>,
    return
  }
}

</mosaic_0001>

<sc_bundles>
// kernel: kernel.11.cloned.1.call-start
scs
__scs_entry_jumppad:
0x0: {  	(pc) =	sbr.rel $0x88, $3  }
0x1: {  	(tag) =	ssettag $0x0;
	lr =	simm.s32 $0x1  }
0x2: {  	[smem:$0x3F97] =	sst lr;
	_ =	strace $0xD0000000  }
0x3: {  	_ = 	snop  }
0x4: {  	_ = 	snop  }
0x5: {  	_ = 	snop  }
0x6: {  	_ = 	snop  }
0x7: {  	_ = 	snop  }
__scs_overlays_trampoline_lowered:
0x8: {  	[smem:$0x3FA6] =	sst s0  }
0x9: {  	[smem:$0x3FA7] =	sst s1  }
0xa: {  	[smem:$0x3FA8] =	sst s2  }
0xb: {  	[smem:$0x3FA9] =	sst s3  }
0xc: {  	[smem:$0x3FAA] =	sst s4  }
0xd: {  	[smem:$0x3FAB] =	sst s5  }
0xe: {  	[smem:$0x3FAC] =	sst s6  }
0xf: {  	[smem:$0x3FAD] =	sst s7  }
0x10: {  	[smem:$0x3FAE] =	sst s8  }
0x11: {  	[smem:$0x3FAF] =	sst s9;
	s0 =	simm.s32 @!p0 $0x0  }
0x12: {  	s1 =	sld [smem:$0x3F95];
	s0 =	simm.s32 @p0 $0x1  }
0x13: {  	[smem:$0x3FB0] =	sst s0;
	s0 =	simm.s32 @!p1 $0x0  }
0x14: {  	s2 =	sld [smem:$0x3F94];
	s0 =	simm.s32 @p1 $0x1  }
0x15: {  	[smem:$0x3FB1] =	sst s0;
	s0 =	simm.s32 @!p2 $0x0  }
0x16: {  	s3 =	sld [smem:$0x3FDB];
	s0 =	simm.s32 @p2 $0x1  }
0x17: {  	s4 =	simm.s32 $0x1BF5;
	[smem:$0x3FB3] =	sst s0  }
0x18: {  	s0 =	sld [smem:$0x3F96];
	_ =	swait.ge [sflag:s4], $0x0  }
0x19: {  	s7 =	sld [smem:$0x3F97]  }
0x1a: {  	s8 =	sadd.s32 $0xFFFFE003, lr  }
0x1b: {  	s9 =	sadd.s32 $0xFFFFFEF7, lr;
	s5 =	simm.s32 $0xFFFFFFFF;
	p2 =	slt.u32 s8, $0xFFFFF086  }
0x1c: {  	p1 =	slt.u32 s9, $0xF7A;
	s5 =	simm.s32 @!p2 $0x0  }
0x1d: {  	s5 =	simm.s32 @p1 $0x1;
	p0 =	seq.s32 s7, s2  }
0x1e: {  	s7 =	smul.u32 @!p0 $0xF7A, s2;
	p2 =	seq.s32 @!p0 s5, $0x0  }
0x1f: {  	s9 =	smul.u32 $0xF7A, s1;
	s8 =	simm.s32 @!p0 $0x1BF5;
	p2 =	por !p2, p0  }
0x20: {  	[sflag:s8] =	ssyncset.s32 @!p0 $0xFFFFF086;
	s6 =	sadd.s32 @!p0 s3, s7;
	s7 =	simm.s32 @!p0 $0x108  }
0x21: {  	s3 =	sadd.s32 s3, s9;
	s6 =	sadd.s32 @!p0 $0x88, s6;
	s7 =	simm.s32 @p2 $0x1082  }
0x22: {  	[simem:s7], [sflag:s8] =	dma.local @!p0 [hbm:s6], $0xF7A  }
0x23: {  	s9 =	sor.u32 $0xD0000000, s2;
	s6 =	simm.s32 $0x108;
	_ =	swait.ge @!p0 [sflag:s8], $0x0  }
0x24: {  	s3 =	sadd.s32 $0x88, s3;
	s6 =	simm.s32 @!p1 $0x1082;
	[sflag:s4] =	ssyncset.s32 $0xFFFFF086  }
0x25: {  	[simem:s6], [sflag:s4] =	dma.local [hbm:s3], $0xF7A  }
0x26: {  	[smem:$0x3F97] =	sst s1;
	(tag) =	ssettag s2;
	_ =	strace s9  }
0x27: {  	s1 =	sld [smem:$0x3FA7]  }
0x28: {  	s2 =	sld [smem:$0x3FA8]  }
0x29: {  	s4 =	sld [smem:$0x3FAA]  }
0x2a: {  	p0 =	seq.s32 s5, $0x0;
	s5 =	sld [smem:$0x3FAB]  }
0x2b: {  	s6 =	sld [smem:$0x3FAC]  }
0x2c: {  	s7 =	sld [smem:$0x3FAD]  }
0x2d: {  	s3 =	simm.s32 $0x108;
	s8 =	sld [smem:$0x3FAE]  }
0x2e: {  	s3 =	simm.s32 @!p0 $0x1082;
	s9 =	sld [smem:$0x3FAF]  }
0x2f: {  	lr =	sadd.s32 s0, s3;
	s0 =	sld [smem:$0x3FA6]  }
0x30: {  	s3 =	sld [smem:$0x3FA9]  }
0x31: {  	[smem:$0x3FB2] =	sst s10  }
0x32: {  	s10 =	sld [smem:$0x3FB0];
	_ =	sdelay $0x3  }
0x33: {  	p0 =	seq.s32 s10, $0x1;
	s10 =	sld [smem:$0x3FB2];
	_ =	sdelay $0x3  }
0x34: {  	[smem:$0x3FB2] =	sst s10  }
0x35: {  	s10 =	sld [smem:$0x3FB1];
	_ =	sdelay $0x3  }
0x36: {  	p1 =	seq.s32 s10, $0x1;
	s10 =	sld [smem:$0x3FB2];
	_ =	sdelay $0x3  }
0x37: {  	[smem:$0x3FB2] =	sst s10  }
0x38: {  	s10 =	sld [smem:$0x3FB3]  }
0x39: {  	_ = 	snop;
	(pc) =	sbr.ind lr, $3  }
0x3a: {  	_ = 	snop  }
0x3b: {  	_ = 	snop  }
0x3c: {  	p2 =	seq.s32 s10, $0x1;
	s10 =	sld [smem:$0x3FB2]  }
0x3d: {  	_ =	shalt  }
0x3e: {  	_ =	shalt  }
0x3f: {  	_ =	shalt  }
0x40: {  	_ =	shalt  }
0x41: {  	_ =	shalt  }
0x42: {  	_ =	shalt  }
0x43: {  	_ =	shalt  }
0x44: {  	_ =	shalt  }
0x45: {  	_ =	shalt  }
0x46: {  	_ =	shalt  }
0x47: {  	_ =	shalt  }
0x48: {  	_ =	shalt  }
0x49: {  	_ =	shalt  }
0x4a: {  	_ =	shalt  }
0x4b: {  	_ =	shalt  }
0x4c: {  	_ =	shalt  }
0x4d: {  	_ =	shalt  }
0x4e: {  	_ =	shalt  }
0x4f: {  	_ =	shalt  }
0x50: {  	_ =	shalt  }
0x51: {  	_ =	shalt  }
0x52: {  	_ =	shalt  }
0x53: {  	_ =	shalt  }
0x54: {  	_ =	shalt  }
0x55: {  	_ =	shalt  }
0x56: {  	_ =	shalt  }
0x57: {  	_ =	shalt  }
0x58: {  	_ =	shalt  }
0x59: {  	_ =	shalt  }
0x5a: {  	_ =	shalt  }
0x5b: {  	_ =	shalt  }
0x5c: {  	_ =	shalt  }
0x5d: {  	_ =	shalt  }
0x5e: {  	_ =	shalt  }
0x5f: {  	_ =	shalt  }
0x60: {  	_ =	shalt  }
0x61: {  	_ =	shalt  }
0x62: {  	_ =	shalt  }
0x63: {  	_ =	shalt  }
0x64: {  	_ =	shalt  }
0x65: {  	_ =	shalt  }
0x66: {  	_ =	shalt  }
0x67: {  	_ =	shalt  }
0x68: {  	_ =	shalt  }
0x69: {  	_ =	shalt  }
0x6a: {  	_ =	shalt  }
0x6b: {  	_ =	shalt  }
0x6c: {  	_ =	shalt  }
0x6d: {  	_ =	shalt  }
0x6e: {  	_ =	shalt  }
0x6f: {  	_ =	shalt  }
0x70: {  	_ =	shalt  }
0x71: {  	_ =	shalt  }
0x72: {  	_ =	shalt  }
0x73: {  	_ =	shalt  }
0x74: {  	_ =	shalt  }
0x75: {  	_ =	shalt  }
0x76: {  	_ =	shalt  }
0x77: {  	_ =	shalt  }
0x78: {  	_ =	shalt  }
0x79: {  	_ =	shalt  }
0x7a: {  	_ =	shalt  }
0x7b: {  	_ =	shalt  }
0x7c: {  	_ =	shalt  }
0x7d: {  	_ =	shalt  }
0x7e: {  	_ =	shalt  }
0x7f: {  	_ =	shalt  }
0x80: {  	_ =	shalt  }
0x81: {  	_ =	shalt  }
0x82: {  	_ =	shalt  }
0x83: {  	_ =	shalt  }
0x84: {  	_ =	shalt  }
0x85: {  	_ =	shalt  }
0x86: {  	_ =	shalt  }
0x87: {  	_ =	shalt  }
.Lfunc_end0:
.L_simem_size_0:
called_computation_lowered:
.L_overlay_start_0:
0x88: {  	s2 =	sld [smem:$0x3FD9]  }
0x89: {  	s3 =	sld [smem:$0x3FFE];
	_ =	sdelay $0x1  }
0x8a: {  	s1 =	srdreg.scid  }
0x8b: {  	s0 =	sand.u32 $0x1, s1  }
0x8c: {  	s14 =	sshll.u32 s0, $0xA;
	s2 =	sadd.s32 s3, s2  }
0x8d: {  	s2 =	sadd.s32 s2, s14  }
0x8e: {  	[smem:$0x3FBE] =	sst s2  }
0x8f: {  	_ = 	snop  }
0x90: {  	s2 =	sld [smem:$0x3FD0];
	_ =	sdelay $0x2  }
0x91: {  	s15 =	simm.s32 $0xA;
	s4 =	simm.s32 $0x10  }
0x92: {  	[smem:s4], [sflag:s15] =	dma.local [hbm:s2], $0x1  }
0x93: {  	_ =	swait.eq [sflag:s15], $0x1  }
0x94: {  	[sflag:s15] =	ssyncset.done $0x0  }
0x95: {  	s16 =	sld [smem:$0x10];
	[sflag:s15] =	ssyncadd.s32 $0xFFFFFFFF  }
0x96: {  	s17 =	sld [smem:$0x11];
	(tm) =	ssettm $0x1  }
0x97: {  	s18 =	sld [smem:$0x3FFB];
	_ =	sdelay $0x3  }
0x98: {  	_ =	strace s18  }
0x99: {  	s4 =	sld [smem:$0x3FFC];
	_ =	sdelay $0x3  }
0x9a: {  	_ =	strace s4  }
0x9b: {  	s4 =	sld [smem:$0x3FFD];
	_ =	sdelay $0x3  }
0x9c: {  	_ =	strace s4  }
0x9d: {  	_ =	strace $0x8FFFFFFF  }
0x9e: {  	s19 =	sld [smem:$0x3FDB];
	_ =	sdelay $0x1  }
0x9f: {  	s5 =	simm.s32 $_scs_section_size  }
0xa0: {  	s6 =	simm.s32 $_size__tile_overlayer_lowered;
	s7 =	simm.s32 $_tile_overlayer_lowered  }
0xa1: {  	s22 =	simm.s32 $0x1BFF;
	s21 =	sshll.u32 s7, $0x1;
	s4 =	sadd.s32 s5, s19  }
0xa2: {  	s8 =	simm.s32 $0x0;
	s20 =	sshll.u32 s6, $0x1;
	s6 =	sadd.s32 s21, s4  }
0xa3: {  	[timem:s8], [sflag:s22] =	dma.local [hbm:s6], s20  }
0xa4: {  	_ =	swait.ge [sflag:s22], s20  }
0xa5: {  	s5 =	ssub.s32 $0x0, s20;
	[sflag:s22] =	ssyncset.done $0x0  }
0xa6: {  	[sflag:s22] =	ssyncadd.s32 s5;
	_ =	sdelay $0x1  }
0xa7: {  	s23 =	simm.s32 $0x1B8B  }
0xa8: {  	_ =	swait.ge [sflag:s23], $0x1  }
0xa9: {  	[sflag:s23] =	ssyncset.done $0x0  }
0xaa: {  	s25 =	simm.s32 $0x1B8E;
	s24 =	sld [smem:$0x3FFE];
	[sflag:s23] =	ssyncadd.s32 $0xFFFFFFFF  }
0xab: {  	s26 =	simm.s32 $execute0_lowered;
	[smem:$0x3FD2] =	sst s25  }
0xac: {  	s6 =	sshll.u32 s26, $0x1;
	_ =	strace $0x80000046;
	[dreg:$0x1] =	wrdreg $0xFFFFFFFF  }
0xad: {  	s28 =	simm.s32 $_size_execute0_lowered;
	s4 =	sadd.s32 s4, s6;
	[dreg:$0x0] =	wrdreg $0x0  }
0xae: {  	s6 =	sshll.u32 s28, $0x1;
	[dreg:$0x2] =	wrdreg s4  }
0xaf: {  	[dreg:$0x3] =	wrdreg s6  }
0xb0: {  	[dreg:$0x4] =	wrdreg $0xC0  }
0xb1: {  	_ =	task [dreg:s8], $0x5FFFF  }
0xb2: {  	[dreg:$0x1] =	wrdreg $0xFFFFFFFF  }
0xb3: {  	[dreg:$0x0] =	wrdreg $0x60  }
0xb4: {  	[dreg:$0x2] =	wrdreg s24  }
0xb5: {  	[dreg:$0x3] =	wrdreg s17  }
0xb6: {  	[dreg:$0x4] =	wrdreg s16  }
0xb7: {  	[dreg:$0x5] =	wrdreg $0x4800  }
0xb8: {  	[dreg:$0x6] =	wrdreg $0x9  }
0xb9: {  	_ =	task.clear_ibuf [dreg:s8], $0x7FFFF;
	_ =	strace $0x90000046  }
0xba: {  	s29 =	simm.s32 $0x9;
	_ =	strace $0x80000048  }
0xbb: {  	_ =	swait.ge [sflag:s29], $0x1  }
0xbc: {  	[sflag:s29] =	ssyncadd.s32 $0xFFFFFFFF  }
0xbd: {  	_ =	strace $0x90000048  }
0xbe: {  	_ =	sfence  }
0xbf: {  	s30 =	sld [smem:$0x0];
	_ =	sdelay $0x2  }
0xc0: {  	s31 =	sshll.u32 s1, $0xD;
	s1 =	sshrl.u32 s1, $0x2  }
0xc1: {  	s3 =	sand.u32 $0x4000, s31;
	s1 =	sadd.s32 s1, s30  }
0xc2: {  	s0 =	sor.u32 s3, s0;
	s1 =	sshll.u32 s1, $0x11  }
0xc3: {  	s0 =	sor.u32 s1, s0  }
0xc4: {  	s0 =	sadd.s32 $0x8F2B, s0  }
0xc5: {  	[sflag:s0] =	ssyncadd.remote.s32 $0x1  }
0xc6: {  	_ =	sfence.sel $0xFFFF  }
0xc7: {  	[dreg:$0x0] =	wrdreg $0xFFFFFFFF;
	(pc) =	sbr.abs _section_cstart, $3  }
0xc8: {  	[dreg:$0x1] =	wrdreg $0xFFFFFFFF  }
0xc9: {  	_ =	task.clear_ibuf [dreg:s8], $0x2FFFF;
	_ =	strace $0x9FFFFFFF  }
0xca: {  	(tm) =	ssettm $0x7FFFFFFF  }
0xcb: {  	_ =	shalt  }
tec
execute0_lowered:
.L_overlay_start_1:
0x0: {  	(tag) =	ssettag $0x1  }
0x1: {  	s5 =	rddreg [dreg:$0x0]  }
0x2: {  	s0 =	srdreg.scid;
	s1 =	rddreg [dreg:$0x1]  }
0x3: {  	s8 =	rddreg [dreg:$0x2];
	s6 =	sand.u32 $0x1, s0  }
0x4: {  	s0 =	stileid.u32;
	s7 =	smul.u32 $0x27800, s6  }
0x5: {  	s3 =	rddreg [dreg:$0x3];
	s9 =	smul.u32 $0x2780, s0  }
0x6: {  	s2 =	rddreg [dreg:$0x4];
	s4 =	simm.s32 $0x0;
	s10 =	smul.u32 $0x1400, s0  }
0x7: {  	[smem:$0x7FF] =	sst s4;
	s11 =	smul.u32 $0x14000, s6;
	s6 =	ssub.s32 $0x2, s6  }
0x8: {  	_ =	strace $0x80000047;
	s31 =	sshll.u32 s0, $0x6;
	s29 =	sshrl.u32 s6, $0x1  }
0x9: {  	s7 =	sadd.s32 s9, s7;
	s25 =	sadd.s32 s10, s11;
	s30 =	sshrl.u32 s10, $0x3  }
0xa: {  	s12 =	ssub.s32 s6, s29;
	s13 =	sadd.s32 s10, s3;
	s9 =	simm.s32 $0x80  }
0xb: {  	s10 =	simm.s32 $0x1;
	s7 =	sshrl.u32 s7, $0x3;
	s28 =	sshrl.u32 s25, $0x3  }
0xc: {  	s11 =	sor.u32 $0x1C01, s31;
	s26 =	sadd.s32 s7, s5;
	s7 =	sadd.s32 s28, s5  }
0xd: {  	s5 =	sadd.s32 s8, s30;
	s6 =	sadd.s32 $0xC200, s7;
	s7 =	smax.u32 s12, $0x1  }
0xe: {  	s8 =	sadd.s32 $0x2400, s26;
	s12 =	sshrl.u32 s13, $0x3;
	s13 =	simm.s32 $0x0  }
.LBB2_1:
0xf: {  	[tilespmem:s9], [sflag:$0x1] =	stream.linear.gather [hbm4b:s1+s4], $0x400, $0x38;
	[tilespmem:$0x700] =	vst v63  }
0x10: {  	_ =	swait.ge [sflag:s10], $0x400  }
0x11: {  	[sflag:s10] =	ssyncset.done $0x0  }
0x12: {  	[sflag:s10] =	ssyncadd.s32 $0xFFFFFC00  }
0x13: {  	[spmem:s12], [sflag:s11] =	dma.local [hbm:s5], $0x280  }
0x14: {  	_ =	swait.ge [sflag:s10], $0x280  }
0x15: {  	[sflag:s10] =	ssyncset.done $0x0  }
0x16: {  	[sflag:s10] =	ssyncadd.s32 $0xFFFFFD80  }
0x17: {  	s14 =	sadd.s32 $0x0, s8;
	[bflag:$0x0] =	sbarrier.arrive $0xFFFF  }
0x18: {  	[tilespmem:s4], [sflag:$0x1] =	stream.linear.gather [hbm4b:s14+s4], $0x80, $0x38;
	[tilespmem:$0x700] =	vst v63  }
0x19: {  	_ =	swait.ge [sflag:s10], $0x80  }
0x1a: {  	[sflag:s10] =	ssyncset.done $0x0  }
0x1b: {  	[sflag:s10] =	ssyncadd.s32 $0xFFFFFF80  }
0x1c: {  	[spmem:s3] =	stream.indirect.scatter.add.f32 [tilespmem:s9], [sflag:$0x1], $0x1, s4, s9, $0xb8;
	[tilespmem:$0x700] =	vst v63  }
0x1d: {  	_ =	swait.ge [sflag:s10], $0x80  }
0x1e: {  	s15 =	simm.s32 $0x20;
	s14 =	simm.s32 $0x10;
	[sflag:s10] =	ssyncset.done $0x0  }
.LBB2_2:
0x1f: {  	s16 =	sadd.s32 s14, s8  }
0x20: {  	[sflag:s10] =	ssyncadd.s32 $0xFFFFFF80;
	s14 =	smov.u32 s15;
	s17 =	sadd.s32 $0x10, s15  }
0x21: {  	[tilespmem:s4], [sflag:$0x1] =	stream.linear.gather [hbm4b:s16+s4], $0x80, $0x38;
	[tilespmem:$0x700] =	vst v63  }
0x22: {  	p0 =	sne.s32 s15, $0x4E0;
	_ =	swait.ge [sflag:s10], $0x80  }
.Ltmp0:
0x23: {  	[sflag:s10] =	ssyncset.done $0x0;
	(pc) =	sbr.rel @p0 .LBB2_2-.Ltmp0, $4  }
0x24: {  	[sflag:s10] =	ssyncadd.s32 $0xFFFFFF80  }
0x25: {  	[spmem:s3] =	stream.indirect.scatter.add.f32 [tilespmem:s9], [sflag:$0x1], $0x1, s4, s9, $0xb8;
	[tilespmem:$0x700] =	vst v63  }
0x26: {  	_ =	swait.ge [sflag:s10], $0x80  }
0x27: {  	s15 =	smov.u32 s17;
	[sflag:s10] =	ssyncset.done $0x0  }
0x28: {  	s14 =	sadd.s32 s14, s8;
	[sflag:s10] =	ssyncadd.s32 $0xFFFFFF80  }
0x29: {  	[tilespmem:s4], [sflag:$0x1] =	stream.linear.gather [hbm4b:s14+s4], $0x80, $0x38;
	[tilespmem:$0x700] =	vst v63  }
0x2a: {  	_ =	swait.ge [sflag:s10], $0x80  }
0x2b: {  	[sflag:s10] =	ssyncset.done $0x0  }
0x2c: {  	[sflag:s10] =	ssyncadd.s32 $0xFFFFFF80  }
0x2d: {  	[spmem:s3] =	stream.indirect.scatter.add.f32 [tilespmem:s9], [sflag:$0x1], $0x1, s4, s9, $0xb8;
	[tilespmem:$0x700] =	vst v63  }
0x2e: {  	_ =	swait.ge [sflag:s10], $0x80  }
0x2f: {  	s13 =	sadd.s32 $0x1, s13;
	[sflag:s10] =	ssyncset.done $0x0  }
0x30: {  	p0 =	sne.s32 s13, s7;
	[sflag:s10] =	ssyncadd.s32 $0xFFFFFF80  }
.Ltmp1:
0x31: {  	[bflag:$0x0] =	sbarrier.arrive $0xFFFF;
	(pc) =	sbr.rel @p0 .LBB2_1-.Ltmp1, $4  }
0x32: {  	[hbm:s6], [sflag:s11] =	dma.local [spmem:s12], $0x280  }
0x33: {  	_ =	swait.ge [sflag:s10], $0x280  }
0x34: {  	[sflag:s10] =	ssyncset.done $0x0  }
0x35: {  	[sflag:s10] =	ssyncadd.s32 $0xFFFFFD80  }
0x36: {  	_ =	sfence.sel $0x180000  }
0x37: {  	[bflag:$0x0] =	sbarrier.arrive $0xFFFF  }
0x38: {  	p0 =	sne.s32 s0, $0x0;
	_ =	strace $0x90000047  }
0x39: {  	s0 =	sadd.s32 @!p0 $0x100000, s2;
	[bflag:$0x2] =	sbarrier.arrive $0xFFFF  }
0x3a: {  	[sflag:s0] =	ssyncadd.tile.s32 @!p0 $0x1;
	_ =	shalt  }
.Lfunc_end2:
_tile_overlayer_lowered:
.L_overlay_start_2:
0x3b: {  	(tag) =	ssettag $0x2  }
0x3c: {  	s0 =	rddreg [dreg:$0x0];
	s2 =	stileid.u32  }
0x3d: {  	s1 =	rddreg [dreg:$0x1];
	p0 =	sne.s32 s2, $0x0  }
0x3e: {  	s3 =	rddreg [dreg:$0x2];
	[bflag:$0x3] =	sbarrier.arrive $0xFFFF;
	s2 =	simm.s32 @!p0 $0x1C01  }
0x3f: {  	[timem:s3], [sflag:s2] =	dma.local @!p0 [hbm:s0], s1  }
0x40: {  	s0 =	simm.s32 @!p0 $0x1  }
0x41: {  	_ =	swait.ge @!p0 [sflag:s0], s1  }
0x42: {  	s1 =	ssub.s32 @!p0 $0x0, s1;
	[sflag:s0] =	ssyncset.done @!p0 $0x0  }
0x43: {  	[sflag:s0] =	ssyncadd.s32 @!p0 s1  }
0x44: {  	[bflag:$0x3] =	sbarrier.arrive $0xFFFF  }
0x45: {  	_ =	shalt  }

// kernel: kernel.14.cloned.1.call-start
scs
__scs_entry_jumppad:
0x0: {  	(pc) =	sbr.rel $0x88, $3  }
0x1: {  	(tag) =	ssettag $0x0;
	lr =	simm.s32 $0x1  }
0x2: {  	[smem:$0x3F97] =	sst lr;
	_ =	strace $0xD0000000  }
0x3: {  	_ = 	snop  }
0x4: {  	_ = 	snop  }
0x5: {  	_ = 	snop  }
0x6: {  	_ = 	snop  }
0x7: {  	_ = 	snop  }
__scs_overlays_trampoline_lowered:
0x8: {  	[smem:$0x3FA6] =	sst s0  }
0x9: {  	[smem:$0x3FA7] =	sst s1  }
0xa: {  	[smem:$0x3FA8] =	sst s2  }
0xb: {  	[smem:$0x3FA9] =	sst s3  }
0xc: {  	[smem:$0x3FAA] =	sst s4  }
0xd: {  	[smem:$0x3FAB] =	sst s5  }
0xe: {  	[smem:$0x3FAC] =	sst s6  }
0xf: {  	[smem:$0x3FAD] =	sst s7  }
0x10: {  	[smem:$0x3FAE] =	sst s8  }
0x11: {  	[smem:$0x3FAF] =	sst s9;
	s0 =	simm.s32 @!p0 $0x0  }
0x12: {  	s1 =	sld [smem:$0x3F95];
	s0 =	simm.s32 @p0 $0x1  }
0x13: {  	[smem:$0x3FB0] =	sst s0;
	s0 =	simm.s32 @!p1 $0x0  }
0x14: {  	s2 =	sld [smem:$0x3F94];
	s0 =	simm.s32 @p1 $0x1  }
0x15: {  	[smem:$0x3FB1] =	sst s0;
	s0 =	simm.s32 @!p2 $0x0  }
0x16: {  	s3 =	sld [smem:$0x3FDB];
	s0 =	simm.s32 @p2 $0x1  }
0x17: {  	s4 =	simm.s32 $0x1BF5;
	[smem:$0x3FB3] =	sst s0  }
0x18: {  	s0 =	sld [smem:$0x3F96];
	_ =	swait.ge [sflag:s4], $0x0  }
0x19: {  	s7 =	sld [smem:$0x3F97]  }
0x1a: {  	s8 =	sadd.s32 $0xFFFFE003, lr  }
0x1b: {  	s9 =	sadd.s32 $0xFFFFFEF7, lr;
	s5 =	simm.s32 $0xFFFFFFFF;
	p2 =	slt.u32 s8, $0xFFFFF086  }
0x1c: {  	p1 =	slt.u32 s9, $0xF7A;
	s5 =	simm.s32 @!p2 $0x0  }
0x1d: {  	s5 =	simm.s32 @p1 $0x1;
	p0 =	seq.s32 s7, s2  }
0x1e: {  	s7 =	smul.u32 @!p0 $0xF7A, s2;
	p2 =	seq.s32 @!p0 s5, $0x0  }
0x1f: {  	s9 =	smul.u32 $0xF7A, s1;
	s8 =	simm.s32 @!p0 $0x1BF5;
	p2 =	por !p2, p0  }
0x20: {  	[sflag:s8] =	ssyncset.s32 @!p0 $0xFFFFF086;
	s6 =	sadd.s32 @!p0 s3, s7;
	s7 =	simm.s32 @!p0 $0x108  }
0x21: {  	s3 =	sadd.s32 s3, s9;
	s6 =	sadd.s32 @!p0 $0x88, s6;
	s7 =	simm.s32 @p2 $0x1082  }
0x22: {  	[simem:s7], [sflag:s8] =	dma.local @!p0 [hbm:s6], $0xF7A  }
0x23: {  	s9 =	sor.u32 $0xD0000000, s2;
	s6 =	simm.s32 $0x108;
	_ =	swait.ge @!p0 [sflag:s8], $0x0  }
0x24: {  	s3 =	sadd.s32 $0x88, s3;
	s6 =	simm.s32 @!p1 $0x1082;
	[sflag:s4] =	ssyncset.s32 $0xFFFFF086  }
0x25: {  	[simem:s6], [sflag:s4] =	dma.local [hbm:s3], $0xF7A  }
0x26: {  	[smem:$0x3F97] =	sst s1;
	(tag) =	ssettag s2;
	_ =	strace s9  }
0x27: {  	s1 =	sld [smem:$0x3FA7]  }
0x28: {  	s2 =	sld [smem:$0x3FA8]  }
0x29: {  	s4 =	sld [smem:$0x3FAA]  }
0x2a: {  	p0 =	seq.s32 s5, $0x0;
	s5 =	sld [smem:$0x3FAB]  }
0x2b: {  	s6 =	sld [smem:$0x3FAC]  }
0x2c: {  	s7 =	sld [smem:$0x3FAD]  }
0x2d: {  	s3 =	simm.s32 $0x108;
	s8 =	sld [smem:$0x3FAE]  }
0x2e: {  	s3 =	simm.s32 @!p0 $0x1082;
	s9 =	sld [smem:$0x3FAF]  }
0x2f: {  	lr =	sadd.s32 s0, s3;
	s0 =	sld [smem:$0x3FA6]  }
0x30: {  	s3 =	sld [smem:$0x3FA9]  }
0x31: {  	[smem:$0x3FB2] =	sst s10  }
0x32: {  	s10 =	sld [smem:$0x3FB0];
	_ =	sdelay $0x3  }
0x33: {  	p0 =	seq.s32 s10, $0x1;
	s10 =	sld [smem:$0x3FB2];
	_ =	sdelay $0x3  }
0x34: {  	[smem:$0x3FB2] =	sst s10  }
0x35: {  	s10 =	sld [smem:$0x3FB1];
	_ =	sdelay $0x3  }
0x36: {  	p1 =	seq.s32 s10, $0x1;
	s10 =	sld [smem:$0x3FB2];
	_ =	sdelay $0x3  }
0x37: {  	[smem:$0x3FB2] =	sst s10  }
0x38: {  	s10 =	sld [smem:$0x3FB3]  }
0x39: {  	_ = 	snop;
	(pc) =	sbr.ind lr, $3  }
0x3a: {  	_ = 	snop  }
0x3b: {  	_ = 	snop  }
0x3c: {  	p2 =	seq.s32 s10, $0x1;
	s10 =	sld [smem:$0x3FB2]  }
0x3d: {  	_ =	shalt  }
0x3e: {  	_ =	shalt  }
0x3f: {  	_ =	shalt  }
0x40: {  	_ =	shalt  }
0x41: {  	_ =	shalt  }
0x42: {  	_ =	shalt  }
0x43: {  	_ =	shalt  }
0x44: {  	_ =	shalt  }
0x45: {  	_ =	shalt  }
0x46: {  	_ =	shalt  }
0x47: {  	_ =	shalt  }
0x48: {  	_ =	shalt  }
0x49: {  	_ =	shalt  }
0x4a: {  	_ =	shalt  }
0x4b: {  	_ =	shalt  }
0x4c: {  	_ =	shalt  }
0x4d: {  	_ =	shalt  }
0x4e: {  	_ =	shalt  }
0x4f: {  	_ =	shalt  }
0x50: {  	_ =	shalt  }
0x51: {  	_ =	shalt  }
0x52: {  	_ =	shalt  }
0x53: {  	_ =	shalt  }
0x54: {  	_ =	shalt  }
0x55: {  	_ =	shalt  }
0x56: {  	_ =	shalt  }
0x57: {  	_ =	shalt  }
0x58: {  	_ =	shalt  }
0x59: {  	_ =	shalt  }
0x5a: {  	_ =	shalt  }
0x5b: {  	_ =	shalt  }
0x5c: {  	_ =	shalt  }
0x5d: {  	_ =	shalt  }
0x5e: {  	_ =	shalt  }
0x5f: {  	_ =	shalt  }
0x60: {  	_ =	shalt  }
0x61: {  	_ =	shalt  }
0x62: {  	_ =	shalt  }
0x63: {  	_ =	shalt  }
0x64: {  	_ =	shalt  }
0x65: {  	_ =	shalt  }
0x66: {  	_ =	shalt  }
0x67: {  	_ =	shalt  }
0x68: {  	_ =	shalt  }
0x69: {  	_ =	shalt  }
0x6a: {  	_ =	shalt  }
0x6b: {  	_ =	shalt  }
0x6c: {  	_ =	shalt  }
0x6d: {  	_ =	shalt  }
0x6e: {  	_ =	shalt  }
0x6f: {  	_ =	shalt  }
0x70: {  	_ =	shalt  }
0x71: {  	_ =	shalt  }
0x72: {  	_ =	shalt  }
0x73: {  	_ =	shalt  }
0x74: {  	_ =	shalt  }
0x75: {  	_ =	shalt  }
0x76: {  	_ =	shalt  }
0x77: {  	_ =	shalt  }
0x78: {  	_ =	shalt  }
0x79: {  	_ =	shalt  }
0x7a: {  	_ =	shalt  }
0x7b: {  	_ =	shalt  }
0x7c: {  	_ =	shalt  }
0x7d: {  	_ =	shalt  }
0x7e: {  	_ =	shalt  }
0x7f: {  	_ =	shalt  }
0x80: {  	_ =	shalt  }
0x81: {  	_ =	shalt  }
0x82: {  	_ =	shalt  }
0x83: {  	_ =	shalt  }
0x84: {  	_ =	shalt  }
0x85: {  	_ =	shalt  }
0x86: {  	_ =	shalt  }
0x87: {  	_ =	shalt  }
.Lfunc_end0:
.L_simem_size_0:
called_computation.1_lowered:
.L_overlay_start_0:
0x88: {  	s2 =	sld [smem:$0x3FD9]  }
0x89: {  	s3 =	sld [smem:$0x3FFE];
	_ =	sdelay $0x1  }
0x8a: {  	s1 =	srdreg.scid  }
0x8b: {  	s0 =	sand.u32 $0x1, s1  }
0x8c: {  	s14 =	sshll.u32 s0, $0xA;
	s2 =	sadd.s32 s3, s2  }
0x8d: {  	s2 =	sadd.s32 s2, s14  }
0x8e: {  	[smem:$0x3FBE] =	sst s2  }
0x8f: {  	_ = 	snop  }
0x90: {  	s2 =	sld [smem:$0x3FD0];
	_ =	sdelay $0x2  }
0x91: {  	s15 =	simm.s32 $0xA;
	s4 =	simm.s32 $0x10  }
0x92: {  	[smem:s4], [sflag:s15] =	dma.local [hbm:s2], $0x1  }
0x93: {  	_ =	swait.eq [sflag:s15], $0x1  }
0x94: {  	[sflag:s15] =	ssyncset.done $0x0  }
0x95: {  	[sflag:s15] =	ssyncadd.s32 $0xFFFFFFFF  }
0x96: {  	s16 =	sld [smem:$0x10];
	(tm) =	ssettm $0x1  }
0x97: {  	s17 =	sld [smem:$0x3FFB];
	_ =	sdelay $0x3  }
0x98: {  	_ =	strace s17  }
0x99: {  	s3 =	sld [smem:$0x3FFC];
	_ =	sdelay $0x3  }
0x9a: {  	_ =	strace s3  }
0x9b: {  	s3 =	sld [smem:$0x3FFD];
	_ =	sdelay $0x3  }
0x9c: {  	_ =	strace s3  }
0x9d: {  	_ =	strace $0x8FFFFFFF  }
0x9e: {  	s18 =	sld [smem:$0x3FDB];
	_ =	sdelay $0x1  }
0x9f: {  	s19 =	simm.s32 $_scs_section_size  }
0xa0: {  	s5 =	simm.s32 $_size__tile_overlayer_lowered;
	s6 =	simm.s32 $_tile_overlayer_lowered  }
0xa1: {  	s22 =	simm.s32 $0x1BFF;
	s21 =	sshll.u32 s6, $0x1;
	s3 =	sadd.s32 s19, s18  }
0xa2: {  	s7 =	simm.s32 $0x0;
	s20 =	sshll.u32 s5, $0x1;
	s5 =	sadd.s32 s21, s3  }
0xa3: {  	[timem:s7], [sflag:s22] =	dma.local [hbm:s5], s20  }
0xa4: {  	_ =	swait.ge [sflag:s22], s20  }
0xa5: {  	s4 =	ssub.s32 $0x0, s20;
	[sflag:s22] =	ssyncset.done $0x0  }
0xa6: {  	[sflag:s22] =	ssyncadd.s32 s4;
	_ =	sdelay $0x1  }
0xa7: {  	s23 =	simm.s32 $0x1B8B  }
0xa8: {  	_ =	swait.ge [sflag:s23], $0x1  }
0xa9: {  	[sflag:s23] =	ssyncset.done $0x0  }
0xaa: {  	s25 =	simm.s32 $0x1B8E;
	s24 =	sld [smem:$0x3FFE];
	[sflag:s23] =	ssyncadd.s32 $0xFFFFFFFF  }
0xab: {  	s26 =	simm.s32 $execute0_lowered;
	[smem:$0x3FD2] =	sst s25  }
0xac: {  	s5 =	sshll.u32 s26, $0x1;
	_ =	strace $0x80000049;
	[dreg:$0x1] =	wrdreg $0xFFFFFFFF  }
0xad: {  	s28 =	simm.s32 $_size_execute0_lowered;
	s3 =	sadd.s32 s3, s5;
	[dreg:$0x0] =	wrdreg $0x0  }
0xae: {  	s5 =	sshll.u32 s28, $0x1;
	[dreg:$0x2] =	wrdreg s3  }
0xaf: {  	[dreg:$0x3] =	wrdreg s5  }
0xb0: {  	[dreg:$0x4] =	wrdreg $0xC0  }
0xb1: {  	_ =	task [dreg:s7], $0x5FFFF  }
0xb2: {  	[dreg:$0x1] =	wrdreg $0xFFFFFFFF  }
0xb3: {  	[dreg:$0x0] =	wrdreg $0x60  }
0xb4: {  	[dreg:$0x2] =	wrdreg s24  }
0xb5: {  	[dreg:$0x3] =	wrdreg s16  }
0xb6: {  	[dreg:$0x4] =	wrdreg $0x5000  }
0xb7: {  	[dreg:$0x5] =	wrdreg $0x9  }
0xb8: {  	_ =	task.clear_ibuf [dreg:s7], $0x6FFFF;
	_ =	strace $0x90000049  }
0xb9: {  	s29 =	simm.s32 $0x9;
	_ =	strace $0x8000004B  }
0xba: {  	_ =	swait.ge [sflag:s29], $0x1  }
0xbb: {  	[sflag:s29] =	ssyncadd.s32 $0xFFFFFFFF  }
0xbc: {  	_ =	strace $0x9000004B  }
0xbd: {  	_ =	sfence  }
0xbe: {  	s30 =	sld [smem:$0x0];
	_ =	sdelay $0x2  }
0xbf: {  	s31 =	sshll.u32 s1, $0xD;
	s1 =	sshrl.u32 s1, $0x2  }
0xc0: {  	s3 =	sand.u32 $0x4000, s31;
	s1 =	sadd.s32 s1, s30  }
0xc1: {  	s0 =	sor.u32 s3, s0;
	s1 =	sshll.u32 s1, $0x11  }
0xc2: {  	s0 =	sor.u32 s1, s0  }
0xc3: {  	s0 =	sadd.s32 $0x8F2B, s0  }
0xc4: {  	[sflag:s0] =	ssyncadd.remote.s32 $0x1  }
0xc5: {  	_ =	sfence.sel $0xFFFF  }
0xc6: {  	[dreg:$0x0] =	wrdreg $0xFFFFFFFF;
	(pc) =	sbr.abs _section_cstart, $3  }
0xc7: {  	[dreg:$0x1] =	wrdreg $0xFFFFFFFF  }
0xc8: {  	_ =	task.clear_ibuf [dreg:s7], $0x2FFFF;
	_ =	strace $0x9FFFFFFF  }
0xc9: {  	(tm) =	ssettm $0x7FFFFFFF  }
tec
execute0_lowered:
.L_overlay_start_1:
0x0: {  	(tag) =	ssettag $0x1  }
0x1: {  	s5 =	rddreg [dreg:$0x0]  }
0x2: {  	s2 =	rddreg [dreg:$0x1]  }
0x3: {  	s0 =	srdreg.scid;
	s3 =	rddreg [dreg:$0x2]  }
0x4: {  	s1 =	rddreg [dreg:$0x3];
	s6 =	sand.u32 $0x1, s0  }
0x5: {  	s4 =	simm.s32 $0x0;
	s0 =	stileid.u32;
	s7 =	smul.u32 $0x27800, s6  }
0x6: {  	s13 =	simm.s32 $0x80;
	s14 =	simm.s32 $0x100;
	s8 =	smul.u32 $0x2780, s0  }
0x7: {  	s15 =	simm.s32 $0x1;
	s16 =	simm.s32 $0x0;
	s9 =	smul.u32 $0x1400, s0  }
0x8: {  	[smem:$0x7FF] =	sst s4;
	s26 =	smul.u32 $0x14000, s6;
	s6 =	ssub.s32 $0x2, s6  }
0x9: {  	_ =	strace $0x8000004A;
	s31 =	sshll.u32 s0, $0x6;
	s30 =	sshrl.u32 s6, $0x1  }
0xa: {  	s7 =	sadd.s32 s8, s7;
	s28 =	sadd.s32 s9, s26;
	s29 =	sshrl.u32 s9, $0x3  }
0xb: {  	s11 =	ssub.s32 s6, s30;
	s12 =	sadd.s32 s9, s3;
	s7 =	sshrl.u32 s7, $0x3  }
0xc: {  	s8 =	sadd.s32 s29, s5;
	s10 =	sadd.s32 s7, s5;
	s7 =	sshrl.u32 s28, $0x3  }
0xd: {  	s6 =	sor.u32 $0x1C02, s31;
	s7 =	sadd.s32 s7, s5;
	s5 =	sadd.s32 $0x11200, s8  }
0xe: {  	s8 =	smax.u32 s11, $0x1;
	s9 =	sadd.s32 $0x2400, s10;
	s10 =	sadd.s32 $0x13A00, s10  }
0xf: {  	s11 =	sshrl.u32 s12, $0x3;
	s12 =	simm.s32 $0x2;
	s7 =	sadd.s32 $0xC200, s7  }
.LBB2_1:
0x10: {  	[spmem:s11], [sflag:s6] =	dma.local [hbm:s5], $0x280  }
0x11: {  	_ =	swait.ge [sflag:s12], $0x280  }
0x12: {  	[sflag:s12] =	ssyncset.done $0x0  }
0x13: {  	[sflag:s12] =	ssyncadd.s32 $0xFFFFFD80  }
0x14: {  	s17 =	sadd.s32 $0x0, s10;
	[bflag:$0x0] =	sbarrier.arrive $0xFFFF  }
0x15: {  	[tilespmem:s4], [sflag:$0x2] =	stream.linear.gather [hbm4b:s17+s4], $0x80, $0x38;
	[tilespmem:$0xF00] =	vst v63  }
0x16: {  	_ =	swait.ge [sflag:s12], $0x80  }
0x17: {  	[sflag:s12] =	ssyncset.done $0x0  }
0x18: {  	s31 =	sadd.s32 $0x0, s9;
	[sflag:s12] =	ssyncadd.s32 $0xFFFFFF80  }
0x19: {  	[tilespmem:s13], [sflag:$0x2] =	stream.linear.gather [hbm4b:s31+s4], $0x80, $0x38;
	[tilespmem:$0xF00] =	vst v63  }
0x1a: {  	_ =	swait.ge [sflag:s12], $0x80  }
0x1b: {  	[sflag:s12] =	ssyncset.done $0x0  }
0x1c: {  	[sflag:s12] =	ssyncadd.s32 $0xFFFFFF80  }
0x1d: {  	[tilespmem:s14], [sflag:$0x1] =	stream.indirect.gather [hbm4b:s2+s13], $0x4, s4, s13, $0xb8;
	[tilespmem:$0xF00] =	vst v63  }
0x1e: {  	_ =	swait.ge [sflag:s15], $0x200  }
0x1f: {  	[sflag:s15] =	ssyncset.done $0x0  }
0x20: {  	[sflag:s15] =	ssyncadd.s32 $0xFFFFFE00  }
0x21: {  	[spmem:s3] =	stream.indirect.scatter.add.f32 [tilespmem:s14], [sflag:$0x2], $0x4, s13, s13, $0xb8;
	[tilespmem:$0xF00] =	vst v63  }
0x22: {  	_ =	swait.ge [sflag:s12], $0x200  }
0x23: {  	s18 =	simm.s32 $0x20;
	s17 =	simm.s32 $0x10;
	[sflag:s12] =	ssyncset.done $0x0  }
.LBB2_2:
0x24: {  	s19 =	sadd.s32 s17, s10  }
0x25: {  	[sflag:s12] =	ssyncadd.s32 $0xFFFFFE00;
	s20 =	smov.u32 s18;
	s21 =	sadd.s32 $0x10, s18  }
0x26: {  	[tilespmem:s4], [sflag:$0x2] =	stream.linear.gather [hbm4b:s19+s4], $0x80, $0x38;
	[tilespmem:$0xF00] =	vst v63  }
0x27: {  	p0 =	sne.s32 s18, $0x4E0;
	_ =	swait.ge [sflag:s12], $0x80  }
0x28: {  	[sflag:s12] =	ssyncset.done $0x0  }
0x29: {  	s18 =	sadd.s32 s17, s9;
	s17 =	smov.u32 s20;
	[sflag:s12] =	ssyncadd.s32 $0xFFFFFF80  }
0x2a: {  	[tilespmem:s13], [sflag:$0x2] =	stream.linear.gather [hbm4b:s18+s4], $0x80, $0x38;
	[tilespmem:$0xF00] =	vst v63  }
0x2b: {  	_ =	swait.ge [sflag:s12], $0x80  }
0x2c: {  	[sflag:s12] =	ssyncset.done $0x0  }
0x2d: {  	[sflag:s12] =	ssyncadd.s32 $0xFFFFFF80  }
0x2e: {  	[tilespmem:s14], [sflag:$0x1] =	stream.indirect.gather [hbm4b:s2+s13], $0x4, s4, s13, $0xb8;
	[tilespmem:$0xF00] =	vst v63  }
0x2f: {  	_ =	swait.ge [sflag:s15], $0x200  }
.Ltmp0:
0x30: {  	[sflag:s15] =	ssyncset.done $0x0;
	(pc) =	sbr.rel @p0 .LBB2_2-.Ltmp0, $4  }
0x31: {  	[sflag:s15] =	ssyncadd.s32 $0xFFFFFE00  }
0x32: {  	[spmem:s3] =	stream.indirect.scatter.add.f32 [tilespmem:s14], [sflag:$0x2], $0x4, s13, s13, $0xb8;
	[tilespmem:$0xF00] =	vst v63  }
0x33: {  	_ =	swait.ge [sflag:s12], $0x200  }
0x34: {  	s18 =	smov.u32 s21;
	[sflag:s12] =	ssyncset.done $0x0  }
0x35: {  	s18 =	sadd.s32 s17, s10;
	[sflag:s12] =	ssyncadd.s32 $0xFFFFFE00  }
0x36: {  	[tilespmem:s4], [sflag:$0x2] =	stream.linear.gather [hbm4b:s18+s4], $0x80, $0x38;
	[tilespmem:$0xF00] =	vst v63  }
0x37: {  	_ =	swait.ge [sflag:s12], $0x80  }
0x38: {  	[sflag:s12] =	ssyncset.done $0x0  }
0x39: {  	s31 =	sadd.s32 s17, s9;
	[sflag:s12] =	ssyncadd.s32 $0xFFFFFF80  }
0x3a: {  	[tilespmem:s13], [sflag:$0x2] =	stream.linear.gather [hbm4b:s31+s4], $0x80, $0x38;
	[tilespmem:$0xF00] =	vst v63  }
0x3b: {  	_ =	swait.ge [sflag:s12], $0x80  }
0x3c: {  	[sflag:s12] =	ssyncset.done $0x0  }
0x3d: {  	[sflag:s12] =	ssyncadd.s32 $0xFFFFFF80  }
0x3e: {  	[tilespmem:s14], [sflag:$0x1] =	stream.indirect.gather [hbm4b:s2+s13], $0x4, s4, s13, $0xb8;
	[tilespmem:$0xF00] =	vst v63  }
0x3f: {  	_ =	swait.ge [sflag:s15], $0x200  }
0x40: {  	[sflag:s15] =	ssyncset.done $0x0  }
0x41: {  	[sflag:s15] =	ssyncadd.s32 $0xFFFFFE00  }
0x42: {  	[spmem:s3] =	stream.indirect.scatter.add.f32 [tilespmem:s14], [sflag:$0x2], $0x4, s13, s13, $0xb8;
	[tilespmem:$0xF00] =	vst v63  }
0x43: {  	_ =	swait.ge [sflag:s12], $0x200  }
0x44: {  	s16 =	sadd.s32 $0x1, s16;
	[sflag:s12] =	ssyncset.done $0x0  }
0x45: {  	p0 =	sne.s32 s16, s8;
	[sflag:s12] =	ssyncadd.s32 $0xFFFFFE00  }
.Ltmp1:
0x46: {  	[bflag:$0x0] =	sbarrier.arrive $0xFFFF;
	(pc) =	sbr.rel @p0 .LBB2_1-.Ltmp1, $4  }
0x47: {  	[hbm:s7], [sflag:s6] =	dma.local [spmem:s11], $0x280  }
0x48: {  	_ =	swait.ge [sflag:s12], $0x280  }
0x49: {  	[sflag:s12] =	ssyncset.done $0x0  }
0x4a: {  	[sflag:s12] =	ssyncadd.s32 $0xFFFFFD80  }
0x4b: {  	_ =	sfence.sel $0x180000  }
0x4c: {  	[bflag:$0x0] =	sbarrier.arrive $0xFFFF  }
0x4d: {  	p0 =	sne.s32 s0, $0x0;
	_ =	strace $0x9000004A  }
0x4e: {  	s0 =	sadd.s32 @!p0 $0x100000, s1;
	[bflag:$0x2] =	sbarrier.arrive $0xFFFF  }
0x4f: {  	[sflag:s0] =	ssyncadd.tile.s32 @!p0 $0x1;
	_ =	shalt  }
.Lfunc_end2:
_tile_overlayer_lowered:
.L_overlay_start_2:
0x50: {  	(tag) =	ssettag $0x2  }
0x51: {  	s0 =	rddreg [dreg:$0x0];
	s2 =	stileid.u32  }
0x52: {  	s1 =	rddreg [dreg:$0x1];
	p0 =	sne.s32 s2, $0x0  }
0x53: {  	s3 =	rddreg [dreg:$0x2];
	[bflag:$0x3] =	sbarrier.arrive $0xFFFF;
	s2 =	simm.s32 @!p0 $0x1C02  }
0x54: {  	[timem:s3], [sflag:s2] =	dma.local @!p0 [hbm:s0], s1  }
0x55: {  	s0 =	simm.s32 @!p0 $0x2  }
0x56: {  	_ =	swait.ge @!p0 [sflag:s0], s1  }
0x57: {  	s1 =	ssub.s32 @!p0 $0x0, s1;
	[sflag:s0] =	ssyncset.done @!p0 $0x0  }
0x58: {  	[sflag:s0] =	ssyncadd.s32 @!p0 s1  }
0x59: {  	[bflag:$0x3] =	sbarrier.arrive $0xFFFF  }
0x5a: {  	_ =	shalt  }

// kernel: kernel.17.cloned.1.call-start
scs
__scs_entry_jumppad:
0x0: {  	(pc) =	sbr.rel $0x88, $3  }
0x1: {  	(tag) =	ssettag $0x0;
	lr =	simm.s32 $0x1  }
0x2: {  	[smem:$0x3F97] =	sst lr;
	_ =	strace $0xD0000000  }
0x3: {  	_ = 	snop  }
0x4: {  	_ = 	snop  }
0x5: {  	_ = 	snop  }
0x6: {  	_ = 	snop  }
0x7: {  	_ = 	snop  }
__scs_overlays_trampoline_lowered:
0x8: {  	[smem:$0x3FA6] =	sst s0  }
0x9: {  	[smem:$0x3FA7] =	sst s1  }
0xa: {  	[smem:$0x3FA8] =	sst s2  }
0xb: {  	[smem:$0x3FA9] =	sst s3  }
0xc: {  	[smem:$0x3FAA] =	sst s4  }
0xd: {  	[smem:$0x3FAB] =	sst s5  }
0xe: {  	[smem:$0x3FAC] =	sst s6  }
0xf: {  	[smem:$0x3FAD] =	sst s7  }
0x10: {  	[smem:$0x3FAE] =	sst s8  }
0x11: {  	[smem:$0x3FAF] =	sst s9;
	s0 =	simm.s32 @!p0 $0x0  }
0x12: {  	s1 =	sld [smem:$0x3F95];
	s0 =	simm.s32 @p0 $0x1  }
0x13: {  	[smem:$0x3FB0] =	sst s0;
	s0 =	simm.s32 @!p1 $0x0  }
0x14: {  	s2 =	sld [smem:$0x3F94];
	s0 =	simm.s32 @p1 $0x1  }
0x15: {  	[smem:$0x3FB1] =	sst s0;
	s0 =	simm.s32 @!p2 $0x0  }
0x16: {  	s3 =	sld [smem:$0x3FDB];
	s0 =	simm.s32 @p2 $0x1  }
0x17: {  	s4 =	simm.s32 $0x1BF5;
	[smem:$0x3FB3] =	sst s0  }
0x18: {  	s0 =	sld [smem:$0x3F96];
	_ =	swait.ge [sflag:s4], $0x0  }
0x19: {  	s7 =	sld [smem:$0x3F97]  }
0x1a: {  	s8 =	sadd.s32 $0xFFFFE003, lr  }
0x1b: {  	s9 =	sadd.s32 $0xFFFFFEF7, lr;
	s5 =	simm.s32 $0xFFFFFFFF;
	p2 =	slt.u32 s8, $0xFFFFF086  }
0x1c: {  	p1 =	slt.u32 s9, $0xF7A;
	s5 =	simm.s32 @!p2 $0x0  }
0x1d: {  	s5 =	simm.s32 @p1 $0x1;
	p0 =	seq.s32 s7, s2  }
0x1e: {  	s7 =	smul.u32 @!p0 $0xF7A, s2;
	p2 =	seq.s32 @!p0 s5, $0x0  }
0x1f: {  	s9 =	smul.u32 $0xF7A, s1;
	s8 =	simm.s32 @!p0 $0x1BF5;
	p2 =	por !p2, p0  }
0x20: {  	[sflag:s8] =	ssyncset.s32 @!p0 $0xFFFFF086;
	s6 =	sadd.s32 @!p0 s3, s7;
	s7 =	simm.s32 @!p0 $0x108  }
0x21: {  	s3 =	sadd.s32 s3, s9;
	s6 =	sadd.s32 @!p0 $0x88, s6;
	s7 =	simm.s32 @p2 $0x1082  }
0x22: {  	[simem:s7], [sflag:s8] =	dma.local @!p0 [hbm:s6], $0xF7A  }
0x23: {  	s9 =	sor.u32 $0xD0000000, s2;
	s6 =	simm.s32 $0x108;
	_ =	swait.ge @!p0 [sflag:s8], $0x0  }
0x24: {  	s3 =	sadd.s32 $0x88, s3;
	s6 =	simm.s32 @!p1 $0x1082;
	[sflag:s4] =	ssyncset.s32 $0xFFFFF086  }
0x25: {  	[simem:s6], [sflag:s4] =	dma.local [hbm:s3], $0xF7A  }
0x26: {  	[smem:$0x3F97] =	sst s1;
	(tag) =	ssettag s2;
	_ =	strace s9  }
0x27: {  	s1 =	sld [smem:$0x3FA7]  }
0x28: {  	s2 =	sld [smem:$0x3FA8]  }
0x29: {  	s4 =	sld [smem:$0x3FAA]  }
0x2a: {  	p0 =	seq.s32 s5, $0x0;
	s5 =	sld [smem:$0x3FAB]  }
0x2b: {  	s6 =	sld [smem:$0x3FAC]  }
0x2c: {  	s7 =	sld [smem:$0x3FAD]  }
0x2d: {  	s3 =	simm.s32 $0x108;
	s8 =	sld [smem:$0x3FAE]  }
0x2e: {  	s3 =	simm.s32 @!p0 $0x1082;
	s9 =	sld [smem:$0x3FAF]  }
0x2f: {  	lr =	sadd.s32 s0, s3;
	s0 =	sld [smem:$0x3FA6]  }
0x30: {  	s3 =	sld [smem:$0x3FA9]  }
0x31: {  	[smem:$0x3FB2] =	sst s10  }
0x32: {  	s10 =	sld [smem:$0x3FB0];
	_ =	sdelay $0x3  }
0x33: {  	p0 =	seq.s32 s10, $0x1;
	s10 =	sld [smem:$0x3FB2];
	_ =	sdelay $0x3  }
0x34: {  	[smem:$0x3FB2] =	sst s10  }
0x35: {  	s10 =	sld [smem:$0x3FB1];
	_ =	sdelay $0x3  }
0x36: {  	p1 =	seq.s32 s10, $0x1;
	s10 =	sld [smem:$0x3FB2];
	_ =	sdelay $0x3  }
0x37: {  	[smem:$0x3FB2] =	sst s10  }
0x38: {  	s10 =	sld [smem:$0x3FB3]  }
0x39: {  	_ = 	snop;
	(pc) =	sbr.ind lr, $3  }
0x3a: {  	_ = 	snop  }
0x3b: {  	_ = 	snop  }
0x3c: {  	p2 =	seq.s32 s10, $0x1;
	s10 =	sld [smem:$0x3FB2]  }
0x3d: {  	_ =	shalt  }
0x3e: {  	_ =	shalt  }
0x3f: {  	_ =	shalt  }
0x40: {  	_ =	shalt  }
0x41: {  	_ =	shalt  }
0x42: {  	_ =	shalt  }
0x43: {  	_ =	shalt  }
0x44: {  	_ =	shalt  }
0x45: {  	_ =	shalt  }
0x46: {  	_ =	shalt  }
0x47: {  	_ =	shalt  }
0x48: {  	_ =	shalt  }
0x49: {  	_ =	shalt  }
0x4a: {  	_ =	shalt  }
0x4b: {  	_ =	shalt  }
0x4c: {  	_ =	shalt  }
0x4d: {  	_ =	shalt  }
0x4e: {  	_ =	shalt  }
0x4f: {  	_ =	shalt  }
0x50: {  	_ =	shalt  }
0x51: {  	_ =	shalt  }
0x52: {  	_ =	shalt  }
0x53: {  	_ =	shalt  }
0x54: {  	_ =	shalt  }
0x55: {  	_ =	shalt  }
0x56: {  	_ =	shalt  }
0x57: {  	_ =	shalt  }
0x58: {  	_ =	shalt  }
0x59: {  	_ =	shalt  }
0x5a: {  	_ =	shalt  }
0x5b: {  	_ =	shalt  }
0x5c: {  	_ =	shalt  }
0x5d: {  	_ =	shalt  }
0x5e: {  	_ =	shalt  }
0x5f: {  	_ =	shalt  }
0x60: {  	_ =	shalt  }
0x61: {  	_ =	shalt  }
0x62: {  	_ =	shalt  }
0x63: {  	_ =	shalt  }
0x64: {  	_ =	shalt  }
0x65: {  	_ =	shalt  }
0x66: {  	_ =	shalt  }
0x67: {  	_ =	shalt  }
0x68: {  	_ =	shalt  }
0x69: {  	_ =	shalt  }
0x6a: {  	_ =	shalt  }
0x6b: {  	_ =	shalt  }
0x6c: {  	_ =	shalt  }
0x6d: {  	_ =	shalt  }
0x6e: {  	_ =	shalt  }
0x6f: {  	_ =	shalt  }
0x70: {  	_ =	shalt  }
0x71: {  	_ =	shalt  }
0x72: {  	_ =	shalt  }
0x73: {  	_ =	shalt  }
0x74: {  	_ =	shalt  }
0x75: {  	_ =	shalt  }
0x76: {  	_ =	shalt  }
0x77: {  	_ =	shalt  }
0x78: {  	_ =	shalt  }
0x79: {  	_ =	shalt  }
0x7a: {  	_ =	shalt  }
0x7b: {  	_ =	shalt  }
0x7c: {  	_ =	shalt  }
0x7d: {  	_ =	shalt  }
0x7e: {  	_ =	shalt  }
0x7f: {  	_ =	shalt  }
0x80: {  	_ =	shalt  }
0x81: {  	_ =	shalt  }
0x82: {  	_ =	shalt  }
0x83: {  	_ =	shalt  }
0x84: {  	_ =	shalt  }
0x85: {  	_ =	shalt  }
0x86: {  	_ =	shalt  }
0x87: {  	_ =	shalt  }
.Lfunc_end0:
.L_simem_size_0:
called_computation.2_lowered:
.L_overlay_start_0:
0x88: {  	s2 =	sld [smem:$0x3FD9]  }
0x89: {  	s3 =	sld [smem:$0x3FFE];
	_ =	sdelay $0x1  }
0x8a: {  	s1 =	srdreg.scid  }
0x8b: {  	s0 =	sand.u32 $0x1, s1  }
0x8c: {  	s16 =	sshll.u32 s0, $0xA;
	s2 =	sadd.s32 s3, s2  }
0x8d: {  	s2 =	sadd.s32 s2, s16  }
0x8e: {  	[smem:$0x3FBE] =	sst s2  }
0x8f: {  	_ = 	snop  }
0x90: {  	(tm) =	ssettm $0x1  }
0x91: {  	s17 =	sld [smem:$0x3FFB];
	_ =	sdelay $0x3  }
0x92: {  	_ =	strace s17  }
0x93: {  	s2 =	sld [smem:$0x3FFC];
	_ =	sdelay $0x3  }
0x94: {  	_ =	strace s2  }
0x95: {  	s2 =	sld [smem:$0x3FFD];
	_ =	sdelay $0x3  }
0x96: {  	_ =	strace s2  }
0x97: {  	_ =	strace $0x8FFFFFFF  }
0x98: {  	s18 =	sld [smem:$0x3FDB];
	_ =	sdelay $0x1  }
0x99: {  	s19 =	simm.s32 $_scs_section_size  }
0x9a: {  	s4 =	simm.s32 $_size__tile_overlayer_lowered;
	s5 =	simm.s32 $_tile_overlayer_lowered  }
0x9b: {  	s22 =	simm.s32 $0x1BFF;
	s21 =	sshll.u32 s5, $0x1;
	s2 =	sadd.s32 s19, s18  }
0x9c: {  	s6 =	simm.s32 $0x0;
	s20 =	sshll.u32 s4, $0x1;
	s4 =	sadd.s32 s21, s2  }
0x9d: {  	[timem:s6], [sflag:s22] =	dma.local [hbm:s4], s20  }
0x9e: {  	_ =	swait.ge [sflag:s22], s20  }
0x9f: {  	s3 =	ssub.s32 $0x0, s20;
	[sflag:s22] =	ssyncset.done $0x0  }
0xa0: {  	[sflag:s22] =	ssyncadd.s32 s3;
	_ =	sdelay $0x1  }
0xa1: {  	s23 =	simm.s32 $0x1B8B  }
0xa2: {  	_ =	swait.ge [sflag:s23], $0x1  }
0xa3: {  	[sflag:s23] =	ssyncset.done $0x0  }
0xa4: {  	s25 =	simm.s32 $0x1B8E;
	s24 =	sld [smem:$0x3FFE];
	[sflag:s23] =	ssyncadd.s32 $0xFFFFFFFF  }
0xa5: {  	s26 =	simm.s32 $execute0_lowered;
	[smem:$0x3FD2] =	sst s25  }
0xa6: {  	s4 =	sshll.u32 s26, $0x1;
	_ =	strace $0x8000004C;
	[dreg:$0x1] =	wrdreg $0xFFFFFFFF  }
0xa7: {  	s28 =	simm.s32 $_size_execute0_lowered;
	s2 =	sadd.s32 s2, s4;
	[dreg:$0x0] =	wrdreg $0x0  }
0xa8: {  	s4 =	sshll.u32 s28, $0x1;
	[dreg:$0x2] =	wrdreg s2  }
0xa9: {  	[dreg:$0x3] =	wrdreg s4  }
0xaa: {  	[dreg:$0x4] =	wrdreg $0xC0  }
0xab: {  	_ =	task [dreg:s6], $0x5FFFF  }
0xac: {  	[dreg:$0x1] =	wrdreg $0xFFFFFFFF  }
0xad: {  	[dreg:$0x0] =	wrdreg $0x60  }
0xae: {  	[dreg:$0x2] =	wrdreg s24  }
0xaf: {  	[dreg:$0x3] =	wrdreg $0x5000  }
0xb0: {  	[dreg:$0x4] =	wrdreg $0x9  }
0xb1: {  	_ =	task.clear_ibuf [dreg:s6], $0x5FFFF;
	_ =	strace $0x9000004C  }
0xb2: {  	s29 =	simm.s32 $0x9;
	_ =	strace $0x8000004E  }
0xb3: {  	_ =	swait.ge [sflag:s29], $0x1  }
0xb4: {  	[sflag:s29] =	ssyncadd.s32 $0xFFFFFFFF  }
0xb5: {  	_ =	strace $0x9000004E  }
0xb6: {  	_ =	sfence  }
0xb7: {  	s30 =	sld [smem:$0x0];
	_ =	sdelay $0x2  }
0xb8: {  	s31 =	sshll.u32 s1, $0xD;
	s1 =	sshrl.u32 s1, $0x2  }
0xb9: {  	s3 =	sand.u32 $0x4000, s31;
	s1 =	sadd.s32 s1, s30  }
0xba: {  	s0 =	sor.u32 s3, s0;
	s1 =	sshll.u32 s1, $0x11  }
0xbb: {  	s0 =	sor.u32 s1, s0  }
0xbc: {  	s0 =	sadd.s32 $0x8F2B, s0  }
0xbd: {  	[sflag:s0] =	ssyncadd.remote.s32 $0x1  }
0xbe: {  	_ =	sfence.sel $0xFFFF  }
0xbf: {  	[dreg:$0x0] =	wrdreg $0xFFFFFFFF;
	(pc) =	sbr.abs _section_cstart, $3  }
0xc0: {  	[dreg:$0x1] =	wrdreg $0xFFFFFFFF  }
0xc1: {  	_ =	task.clear_ibuf [dreg:s6], $0x2FFFF;
	_ =	strace $0x9FFFFFFF  }
0xc2: {  	(tm) =	ssettm $0x7FFFFFFF  }
0xc3: {  	_ =	shalt  }
tec
execute0_lowered:
.L_overlay_start_1:
0x0: {  	(tag) =	ssettag $0x1  }
0x1: {  	s5 =	rddreg [dreg:$0x0]  }
0x2: {  	s0 =	srdreg.scid;
	s2 =	rddreg [dreg:$0x1]  }
0x3: {  	s1 =	rddreg [dreg:$0x2];
	s3 =	simm.s32 $0x0;
	s6 =	sand.u32 $0x1, s0  }
0x4: {  	s13 =	simm.s32 $0x80;
	s0 =	stileid.u32;
	s4 =	smul.u32 $0x27800, s6  }
0x5: {  	s14 =	simm.s32 $0x100;
	s15 =	simm.s32 $0x1;
	s7 =	smul.u32 $0x2780, s0  }
0x6: {  	s16 =	simm.s32 $0x0;
	[smem:$0x7FF] =	sst s3;
	s8 =	smul.u32 $0x1400, s0  }
0x7: {  	s29 =	smul.u32 $0x14000, s6;
	_ =	strace $0x8000004D;
	s6 =	ssub.s32 $0x2, s6  }
0x8: {  	s31 =	sshll.u32 s0, $0x6;
	s30 =	sshrl.u32 s6, $0x1;
	s4 =	sadd.s32 s7, s4  }
0x9: {  	s7 =	sadd.s32 s8, s29;
	s9 =	sshrl.u32 s8, $0x3;
	s11 =	ssub.s32 s6, s30  }
0xa: {  	s12 =	sadd.s32 s8, s2;
	s6 =	sor.u32 $0x1C02, s31;
	s4 =	sshrl.u32 s4, $0x3  }
0xb: {  	s7 =	sshrl.u32 s7, $0x3;
	s9 =	sadd.s32 s9, s5;
	s8 =	smax.u32 s11, $0x1  }
0xc: {  	s11 =	sshrl.u32 s12, $0x3;
	s12 =	simm.s32 $0x2;
	s10 =	sadd.s32 s4, s5  }
0xd: {  	s4 =	sadd.s32 $0xC200, s5;
	s7 =	sadd.s32 s7, s5;
	s5 =	sadd.s32 $0x11200, s9  }
0xe: {  	s7 =	sadd.s32 $0x1D800, s7;
	s9 =	sadd.s32 $0x2400, s10;
	s10 =	sadd.s32 $0x13A00, s10  }
.LBB2_1:
0xf: {  	[spmem:s11], [sflag:s6] =	dma.local [hbm:s5], $0x280  }
0x10: {  	_ =	swait.ge [sflag:s12], $0x280  }
0x11: {  	[sflag:s12] =	ssyncset.done $0x0  }
0x12: {  	[sflag:s12] =	ssyncadd.s32 $0xFFFFFD80  }
0x13: {  	s17 =	sadd.s32 $0x0, s10;
	[bflag:$0x0] =	sbarrier.arrive $0xFFFF  }
0x14: {  	[tilespmem:s3], [sflag:$0x2] =	stream.linear.gather [hbm4b:s17+s3], $0x80, $0x38;
	[tilespmem:$0xF00] =	vst v63  }
0x15: {  	_ =	swait.ge [sflag:s12], $0x80  }
0x16: {  	[sflag:s12] =	ssyncset.done $0x0  }
0x17: {  	s31 =	sadd.s32 $0x0, s9;
	[sflag:s12] =	ssyncadd.s32 $0xFFFFFF80  }
0x18: {  	[tilespmem:s13], [sflag:$0x2] =	stream.linear.gather [hbm4b:s31+s3], $0x80, $0x38;
	[tilespmem:$0xF00] =	vst v63  }
0x19: {  	_ =	swait.ge [sflag:s12], $0x80  }
0x1a: {  	[sflag:s12] =	ssyncset.done $0x0  }
0x1b: {  	[sflag:s12] =	ssyncadd.s32 $0xFFFFFF80  }
0x1c: {  	[tilespmem:s14], [sflag:$0x1] =	stream.indirect.gather [hbm4b:s4+s13], $0x4, s3, s13, $0xb8;
	[tilespmem:$0xF00] =	vst v63  }
0x1d: {  	_ =	swait.ge [sflag:s15], $0x200  }
0x1e: {  	[sflag:s15] =	ssyncset.done $0x0  }
0x1f: {  	[sflag:s15] =	ssyncadd.s32 $0xFFFFFE00  }
0x20: {  	[spmem:s2] =	stream.indirect.scatter.add.f32 [tilespmem:s14], [sflag:$0x2], $0x4, s13, s13, $0xb8;
	[tilespmem:$0xF00] =	vst v63  }
0x21: {  	_ =	swait.ge [sflag:s12], $0x200  }
0x22: {  	s18 =	simm.s32 $0x20;
	s17 =	simm.s32 $0x10;
	[sflag:s12] =	ssyncset.done $0x0  }
.LBB2_2:
0x23: {  	s19 =	sadd.s32 s17, s10  }
0x24: {  	[sflag:s12] =	ssyncadd.s32 $0xFFFFFE00;
	s20 =	smov.u32 s18;
	s21 =	sadd.s32 $0x10, s18  }
0x25: {  	[tilespmem:s3], [sflag:$0x2] =	stream.linear.gather [hbm4b:s19+s3], $0x80, $0x38;
	[tilespmem:$0xF00] =	vst v63  }
0x26: {  	p0 =	sne.s32 s18, $0x4E0;
	_ =	swait.ge [sflag:s12], $0x80  }
0x27: {  	[sflag:s12] =	ssyncset.done $0x0  }
0x28: {  	s18 =	sadd.s32 s17, s9;
	s17 =	smov.u32 s20;
	[sflag:s12] =	ssyncadd.s32 $0xFFFFFF80  }
0x29: {  	[tilespmem:s13], [sflag:$0x2] =	stream.linear.gather [hbm4b:s18+s3], $0x80, $0x38;
	[tilespmem:$0xF00] =	vst v63  }
0x2a: {  	_ =	swait.ge [sflag:s12], $0x80  }
0x2b: {  	[sflag:s12] =	ssyncset.done $0x0  }
0x2c: {  	[sflag:s12] =	ssyncadd.s32 $0xFFFFFF80  }
0x2d: {  	[tilespmem:s14], [sflag:$0x1] =	stream.indirect.gather [hbm4b:s4+s13], $0x4, s3, s13, $0xb8;
	[tilespmem:$0xF00] =	vst v63  }
0x2e: {  	_ =	swait.ge [sflag:s15], $0x200  }
.Ltmp0:
0x2f: {  	[sflag:s15] =	ssyncset.done $0x0;
	(pc) =	sbr.rel @p0 .LBB2_2-.Ltmp0, $4  }
0x30: {  	[sflag:s15] =	ssyncadd.s32 $0xFFFFFE00  }
0x31: {  	[spmem:s2] =	stream.indirect.scatter.add.f32 [tilespmem:s14], [sflag:$0x2], $0x4, s13, s13, $0xb8;
	[tilespmem:$0xF00] =	vst v63  }
0x32: {  	_ =	swait.ge [sflag:s12], $0x200  }
0x33: {  	s18 =	smov.u32 s21;
	[sflag:s12] =	ssyncset.done $0x0  }
0x34: {  	s18 =	sadd.s32 s17, s10;
	[sflag:s12] =	ssyncadd.s32 $0xFFFFFE00  }
0x35: {  	[tilespmem:s3], [sflag:$0x2] =	stream.linear.gather [hbm4b:s18+s3], $0x80, $0x38;
	[tilespmem:$0xF00] =	vst v63  }
0x36: {  	_ =	swait.ge [sflag:s12], $0x80  }
0x37: {  	[sflag:s12] =	ssyncset.done $0x0  }
0x38: {  	s31 =	sadd.s32 s17, s9;
	[sflag:s12] =	ssyncadd.s32 $0xFFFFFF80  }
0x39: {  	[tilespmem:s13], [sflag:$0x2] =	stream.linear.gather [hbm4b:s31+s3], $0x80, $0x38;
	[tilespmem:$0xF00] =	vst v63  }
0x3a: {  	_ =	swait.ge [sflag:s12], $0x80  }
0x3b: {  	[sflag:s12] =	ssyncset.done $0x0  }
0x3c: {  	[sflag:s12] =	ssyncadd.s32 $0xFFFFFF80  }
0x3d: {  	[tilespmem:s14], [sflag:$0x1] =	stream.indirect.gather [hbm4b:s4+s13], $0x4, s3, s13, $0xb8;
	[tilespmem:$0xF00] =	vst v63  }
0x3e: {  	_ =	swait.ge [sflag:s15], $0x200  }
0x3f: {  	[sflag:s15] =	ssyncset.done $0x0  }
0x40: {  	[sflag:s15] =	ssyncadd.s32 $0xFFFFFE00  }
0x41: {  	[spmem:s2] =	stream.indirect.scatter.add.f32 [tilespmem:s14], [sflag:$0x2], $0x4, s13, s13, $0xb8;
	[tilespmem:$0xF00] =	vst v63  }
0x42: {  	_ =	swait.ge [sflag:s12], $0x200  }
0x43: {  	s16 =	sadd.s32 $0x1, s16;
	[sflag:s12] =	ssyncset.done $0x0  }
0x44: {  	p0 =	sne.s32 s16, s8;
	[sflag:s12] =	ssyncadd.s32 $0xFFFFFE00  }
.Ltmp1:
0x45: {  	[bflag:$0x0] =	sbarrier.arrive $0xFFFF;
	(pc) =	sbr.rel @p0 .LBB2_1-.Ltmp1, $4  }
0x46: {  	[hbm:s7], [sflag:s6] =	dma.local [spmem:s11], $0x280  }
0x47: {  	_ =	swait.ge [sflag:s12], $0x280  }
0x48: {  	[sflag:s12] =	ssyncset.done $0x0  }
0x49: {  	[sflag:s12] =	ssyncadd.s32 $0xFFFFFD80  }
0x4a: {  	_ =	sfence.sel $0x180000  }
0x4b: {  	[bflag:$0x0] =	sbarrier.arrive $0xFFFF  }
0x4c: {  	p0 =	sne.s32 s0, $0x0;
	_ =	strace $0x9000004D  }
0x4d: {  	s0 =	sadd.s32 @!p0 $0x100000, s1;
	[bflag:$0x2] =	sbarrier.arrive $0xFFFF  }
0x4e: {  	[sflag:s0] =	ssyncadd.tile.s32 @!p0 $0x1;
	_ =	shalt  }
.Lfunc_end2:
_tile_overlayer_lowered:
.L_overlay_start_2:
0x4f: {  	(tag) =	ssettag $0x2  }
0x50: {  	s0 =	rddreg [dreg:$0x0];
	s2 =	stileid.u32  }
0x51: {  	s1 =	rddreg [dreg:$0x1];
	p0 =	sne.s32 s2, $0x0  }
0x52: {  	s3 =	rddreg [dreg:$0x2];
	[bflag:$0x3] =	sbarrier.arrive $0xFFFF;
	s2 =	simm.s32 @!p0 $0x1C02  }
0x53: {  	[timem:s3], [sflag:s2] =	dma.local @!p0 [hbm:s0], s1  }
0x54: {  	s0 =	simm.s32 @!p0 $0x2  }
0x55: {  	_ =	swait.ge @!p0 [sflag:s0], s1  }
0x56: {  	s1 =	ssub.s32 @!p0 $0x0, s1;
	[sflag:s0] =	ssyncset.done @!p0 $0x0  }
0x57: {  	[sflag:s0] =	ssyncadd.s32 @!p0 s1  }
0x58: {  	[bflag:$0x3] =	sbarrier.arrive $0xFFFF  }
0x59: {  	_ =	shalt  }

// kernel: kernel.20.cloned.1.call-start
scs
__scs_entry_jumppad:
0x0: {  	(pc) =	sbr.rel $0x88, $3  }
0x1: {  	(tag) =	ssettag $0x0;
	lr =	simm.s32 $0x1  }
0x2: {  	[smem:$0x3F97] =	sst lr;
	_ =	strace $0xD0000000  }
0x3: {  	_ = 	snop  }
0x4: {  	_ = 	snop  }
0x5: {  	_ = 	snop  }
0x6: {  	_ = 	snop  }
0x7: {  	_ = 	snop  }
__scs_overlays_trampoline_lowered:
0x8: {  	[smem:$0x3FA6] =	sst s0  }
0x9: {  	[smem:$0x3FA7] =	sst s1  }
0xa: {  	[smem:$0x3FA8] =	sst s2  }
0xb: {  	[smem:$0x3FA9] =	sst s3  }
0xc: {  	[smem:$0x3FAA] =	sst s4  }
0xd: {  	[smem:$0x3FAB] =	sst s5  }
0xe: {  	[smem:$0x3FAC] =	sst s6  }
0xf: {  	[smem:$0x3FAD] =	sst s7  }
0x10: {  	[smem:$0x3FAE] =	sst s8  }
0x11: {  	[smem:$0x3FAF] =	sst s9;
	s0 =	simm.s32 @!p0 $0x0  }
0x12: {  	s1 =	sld [smem:$0x3F95];
	s0 =	simm.s32 @p0 $0x1  }
0x13: {  	[smem:$0x3FB0] =	sst s0;
	s0 =	simm.s32 @!p1 $0x0  }
0x14: {  	s2 =	sld [smem:$0x3F94];
	s0 =	simm.s32 @p1 $0x1  }
0x15: {  	[smem:$0x3FB1] =	sst s0;
	s0 =	simm.s32 @!p2 $0x0  }
0x16: {  	s3 =	sld [smem:$0x3FDB];
	s0 =	simm.s32 @p2 $0x1  }
0x17: {  	s4 =	simm.s32 $0x1BF5;
	[smem:$0x3FB3] =	sst s0  }
0x18: {  	s0 =	sld [smem:$0x3F96];
	_ =	swait.ge [sflag:s4], $0x0  }
0x19: {  	s7 =	sld [smem:$0x3F97]  }
0x1a: {  	s8 =	sadd.s32 $0xFFFFE003, lr  }
0x1b: {  	s9 =	sadd.s32 $0xFFFFFEF7, lr;
	s5 =	simm.s32 $0xFFFFFFFF;
	p2 =	slt.u32 s8, $0xFFFFF086  }
0x1c: {  	p1 =	slt.u32 s9, $0xF7A;
	s5 =	simm.s32 @!p2 $0x0  }
0x1d: {  	s5 =	simm.s32 @p1 $0x1;
	p0 =	seq.s32 s7, s2  }
0x1e: {  	s7 =	smul.u32 @!p0 $0xF7A, s2;
	p2 =	seq.s32 @!p0 s5, $0x0  }
0x1f: {  	s9 =	smul.u32 $0xF7A, s1;
	s8 =	simm.s32 @!p0 $0x1BF5;
	p2 =	por !p2, p0  }
0x20: {  	[sflag:s8] =	ssyncset.s32 @!p0 $0xFFFFF086;
	s6 =	sadd.s32 @!p0 s3, s7;
	s7 =	simm.s32 @!p0 $0x108  }
0x21: {  	s3 =	sadd.s32 s3, s9;
	s6 =	sadd.s32 @!p0 $0x88, s6;
	s7 =	simm.s32 @p2 $0x1082  }
0x22: {  	[simem:s7], [sflag:s8] =	dma.local @!p0 [hbm:s6], $0xF7A  }
0x23: {  	s9 =	sor.u32 $0xD0000000, s2;
	s6 =	simm.s32 $0x108;
	_ =	swait.ge @!p0 [sflag:s8], $0x0  }
0x24: {  	s3 =	sadd.s32 $0x88, s3;
	s6 =	simm.s32 @!p1 $0x1082;
	[sflag:s4] =	ssyncset.s32 $0xFFFFF086  }
0x25: {  	[simem:s6], [sflag:s4] =	dma.local [hbm:s3], $0xF7A  }
0x26: {  	[smem:$0x3F97] =	sst s1;
	(tag) =	ssettag s2;
	_ =	strace s9  }
0x27: {  	s1 =	sld [smem:$0x3FA7]  }
0x28: {  	s2 =	sld [smem:$0x3FA8]  }
0x29: {  	s4 =	sld [smem:$0x3FAA]  }
0x2a: {  	p0 =	seq.s32 s5, $0x0;
	s5 =	sld [smem:$0x3FAB]  }
0x2b: {  	s6 =	sld [smem:$0x3FAC]  }
0x2c: {  	s7 =	sld [smem:$0x3FAD]  }
0x2d: {  	s3 =	simm.s32 $0x108;
	s8 =	sld [smem:$0x3FAE]  }
0x2e: {  	s3 =	simm.s32 @!p0 $0x1082;
	s9 =	sld [smem:$0x3FAF]  }
0x2f: {  	lr =	sadd.s32 s0, s3;
	s0 =	sld [smem:$0x3FA6]  }
0x30: {  	s3 =	sld [smem:$0x3FA9]  }
0x31: {  	[smem:$0x3FB2] =	sst s10  }
0x32: {  	s10 =	sld [smem:$0x3FB0];
	_ =	sdelay $0x3  }
0x33: {  	p0 =	seq.s32 s10, $0x1;
	s10 =	sld [smem:$0x3FB2];
	_ =	sdelay $0x3  }
0x34: {  	[smem:$0x3FB2] =	sst s10  }
0x35: {  	s10 =	sld [smem:$0x3FB1];
	_ =	sdelay $0x3  }
0x36: {  	p1 =	seq.s32 s10, $0x1;
	s10 =	sld [smem:$0x3FB2];
	_ =	sdelay $0x3  }
0x37: {  	[smem:$0x3FB2] =	sst s10  }
0x38: {  	s10 =	sld [smem:$0x3FB3]  }
0x39: {  	_ = 	snop;
	(pc) =	sbr.ind lr, $3  }
0x3a: {  	_ = 	snop  }
0x3b: {  	_ = 	snop  }
0x3c: {  	p2 =	seq.s32 s10, $0x1;
	s10 =	sld [smem:$0x3FB2]  }
0x3d: {  	_ =	shalt  }
0x3e: {  	_ =	shalt  }
0x3f: {  	_ =	shalt  }
0x40: {  	_ =	shalt  }
0x41: {  	_ =	shalt  }
0x42: {  	_ =	shalt  }
0x43: {  	_ =	shalt  }
0x44: {  	_ =	shalt  }
0x45: {  	_ =	shalt  }
0x46: {  	_ =	shalt  }
0x47: {  	_ =	shalt  }
0x48: {  	_ =	shalt  }
0x49: {  	_ =	shalt  }
0x4a: {  	_ =	shalt  }
0x4b: {  	_ =	shalt  }
0x4c: {  	_ =	shalt  }
0x4d: {  	_ =	shalt  }
0x4e: {  	_ =	shalt  }
0x4f: {  	_ =	shalt  }
0x50: {  	_ =	shalt  }
0x51: {  	_ =	shalt  }
0x52: {  	_ =	shalt  }
0x53: {  	_ =	shalt  }
0x54: {  	_ =	shalt  }
0x55: {  	_ =	shalt  }
0x56: {  	_ =	shalt  }
0x57: {  	_ =	shalt  }
0x58: {  	_ =	shalt  }
0x59: {  	_ =	shalt  }
0x5a: {  	_ =	shalt  }
0x5b: {  	_ =	shalt  }
0x5c: {  	_ =	shalt  }
0x5d: {  	_ =	shalt  }
0x5e: {  	_ =	shalt  }
0x5f: {  	_ =	shalt  }
0x60: {  	_ =	shalt  }
0x61: {  	_ =	shalt  }
0x62: {  	_ =	shalt  }
0x63: {  	_ =	shalt  }
0x64: {  	_ =	shalt  }
0x65: {  	_ =	shalt  }
0x66: {  	_ =	shalt  }
0x67: {  	_ =	shalt  }
0x68: {  	_ =	shalt  }
0x69: {  	_ =	shalt  }
0x6a: {  	_ =	shalt  }
0x6b: {  	_ =	shalt  }
0x6c: {  	_ =	shalt  }
0x6d: {  	_ =	shalt  }
0x6e: {  	_ =	shalt  }
0x6f: {  	_ =	shalt  }
0x70: {  	_ =	shalt  }
0x71: {  	_ =	shalt  }
0x72: {  	_ =	shalt  }
0x73: {  	_ =	shalt  }
0x74: {  	_ =	shalt  }
0x75: {  	_ =	shalt  }
0x76: {  	_ =	shalt  }
0x77: {  	_ =	shalt  }
0x78: {  	_ =	shalt  }
0x79: {  	_ =	shalt  }
0x7a: {  	_ =	shalt  }
0x7b: {  	_ =	shalt  }
0x7c: {  	_ =	shalt  }
0x7d: {  	_ =	shalt  }
0x7e: {  	_ =	shalt  }
0x7f: {  	_ =	shalt  }
0x80: {  	_ =	shalt  }
0x81: {  	_ =	shalt  }
0x82: {  	_ =	shalt  }
0x83: {  	_ =	shalt  }
0x84: {  	_ =	shalt  }
0x85: {  	_ =	shalt  }
0x86: {  	_ =	shalt  }
0x87: {  	_ =	shalt  }
.Lfunc_end0:
.L_simem_size_0:
called_computation.3_lowered:
.L_overlay_start_0:
0x88: {  	s2 =	sld [smem:$0x3FD9]  }
0x89: {  	s3 =	sld [smem:$0x3FFE];
	_ =	sdelay $0x1  }
0x8a: {  	s1 =	srdreg.scid  }
0x8b: {  	s0 =	sand.u32 $0x1, s1  }
0x8c: {  	s14 =	sshll.u32 s0, $0xA;
	s2 =	sadd.s32 s3, s2  }
0x8d: {  	s2 =	sadd.s32 s2, s14  }
0x8e: {  	[smem:$0x3FBE] =	sst s2  }
0x8f: {  	_ = 	snop  }
0x90: {  	s2 =	sld [smem:$0x3FD0];
	_ =	sdelay $0x2  }
0x91: {  	s15 =	simm.s32 $0xA;
	s4 =	simm.s32 $0x10  }
0x92: {  	[smem:s4], [sflag:s15] =	dma.local [hbm:s2], $0x1  }
0x93: {  	_ =	swait.eq [sflag:s15], $0x1  }
0x94: {  	[sflag:s15] =	ssyncset.done $0x0  }
0x95: {  	[sflag:s15] =	ssyncadd.s32 $0xFFFFFFFF  }
0x96: {  	s16 =	sld [smem:$0x10];
	(tm) =	ssettm $0x1  }
0x97: {  	s17 =	sld [smem:$0x3FFB];
	_ =	sdelay $0x3  }
0x98: {  	_ =	strace s17  }
0x99: {  	s3 =	sld [smem:$0x3FFC];
	_ =	sdelay $0x3  }
0x9a: {  	_ =	strace s3  }
0x9b: {  	s3 =	sld [smem:$0x3FFD];
	_ =	sdelay $0x3  }
0x9c: {  	_ =	strace s3  }
0x9d: {  	_ =	strace $0x8FFFFFFF  }
0x9e: {  	s18 =	sld [smem:$0x3FDB];
	_ =	sdelay $0x1  }
0x9f: {  	s19 =	simm.s32 $_scs_section_size  }
0xa0: {  	s5 =	simm.s32 $_size__tile_overlayer_lowered;
	s6 =	simm.s32 $_tile_overlayer_lowered  }
0xa1: {  	s22 =	simm.s32 $0x1BFF;
	s21 =	sshll.u32 s6, $0x1;
	s3 =	sadd.s32 s19, s18  }
0xa2: {  	s7 =	simm.s32 $0x0;
	s20 =	sshll.u32 s5, $0x1;
	s5 =	sadd.s32 s21, s3  }
0xa3: {  	[timem:s7], [sflag:s22] =	dma.local [hbm:s5], s20  }
0xa4: {  	_ =	swait.ge [sflag:s22], s20  }
0xa5: {  	s4 =	ssub.s32 $0x0, s20;
	[sflag:s22] =	ssyncset.done $0x0  }
0xa6: {  	[sflag:s22] =	ssyncadd.s32 s4;
	_ =	sdelay $0x1  }
0xa7: {  	s23 =	simm.s32 $0x1B8B  }
0xa8: {  	_ =	swait.ge [sflag:s23], $0x1  }
0xa9: {  	[sflag:s23] =	ssyncset.done $0x0  }
0xaa: {  	s25 =	simm.s32 $0x1B8E;
	s24 =	sld [smem:$0x3FFE];
	[sflag:s23] =	ssyncadd.s32 $0xFFFFFFFF  }
0xab: {  	s26 =	simm.s32 $execute0_lowered;
	[smem:$0x3FD2] =	sst s25  }
0xac: {  	s5 =	sshll.u32 s26, $0x1;
	_ =	strace $0x8000004F;
	[dreg:$0x1] =	wrdreg $0xFFFFFFFF  }
0xad: {  	s28 =	simm.s32 $_size_execute0_lowered;
	s3 =	sadd.s32 s3, s5;
	[dreg:$0x0] =	wrdreg $0x0  }
0xae: {  	s5 =	sshll.u32 s28, $0x1;
	[dreg:$0x2] =	wrdreg s3  }
0xaf: {  	[dreg:$0x3] =	wrdreg s5  }
0xb0: {  	[dreg:$0x4] =	wrdreg $0xC0  }
0xb1: {  	_ =	task [dreg:s7], $0x5FFFF  }
0xb2: {  	[dreg:$0x1] =	wrdreg $0xFFFFFFFF  }
0xb3: {  	[dreg:$0x0] =	wrdreg $0x60  }
0xb4: {  	[dreg:$0x2] =	wrdreg s24  }
0xb5: {  	[dreg:$0x3] =	wrdreg s16  }
0xb6: {  	[dreg:$0x4] =	wrdreg $0x5000  }
0xb7: {  	[dreg:$0x5] =	wrdreg $0x9  }
0xb8: {  	_ =	task.clear_ibuf [dreg:s7], $0x6FFFF;
	_ =	strace $0x9000004F  }
0xb9: {  	s29 =	simm.s32 $0x9;
	_ =	strace $0x80000051  }
0xba: {  	_ =	swait.ge [sflag:s29], $0x1  }
0xbb: {  	[sflag:s29] =	ssyncadd.s32 $0xFFFFFFFF  }
0xbc: {  	_ =	strace $0x90000051  }
0xbd: {  	_ =	sfence  }
0xbe: {  	s30 =	sld [smem:$0x0];
	_ =	sdelay $0x2  }
0xbf: {  	s31 =	sshll.u32 s1, $0xD;
	s1 =	sshrl.u32 s1, $0x2  }
0xc0: {  	s3 =	sand.u32 $0x4000, s31;
	s1 =	sadd.s32 s1, s30  }
0xc1: {  	s0 =	sor.u32 s3, s0;
	s1 =	sshll.u32 s1, $0x11  }
0xc2: {  	s0 =	sor.u32 s1, s0  }
0xc3: {  	s0 =	sadd.s32 $0x8F2B, s0  }
0xc4: {  	[sflag:s0] =	ssyncadd.remote.s32 $0x1  }
0xc5: {  	_ =	sfence.sel $0xFFFF  }
0xc6: {  	[dreg:$0x0] =	wrdreg $0xFFFFFFFF;
	(pc) =	sbr.abs _section_cstart, $3  }
0xc7: {  	[dreg:$0x1] =	wrdreg $0xFFFFFFFF  }
0xc8: {  	_ =	task.clear_ibuf [dreg:s7], $0x2FFFF;
	_ =	strace $0x9FFFFFFF  }
0xc9: {  	(tm) =	ssettm $0x7FFFFFFF  }
tec
execute0_lowered:
.L_overlay_start_1:
0x0: {  	(tag) =	ssettag $0x1  }
0x1: {  	s5 =	rddreg [dreg:$0x0]  }
0x2: {  	s6 =	rddreg [dreg:$0x1]  }
0x3: {  	s0 =	srdreg.scid;
	s2 =	rddreg [dreg:$0x2]  }
0x4: {  	s1 =	rddreg [dreg:$0x3];
	s4 =	sand.u32 $0x1, s0  }
0x5: {  	s3 =	simm.s32 $0x0;
	s0 =	stileid.u32;
	s7 =	smul.u32 $0x27800, s4  }
0x6: {  	s13 =	simm.s32 $0x80;
	s14 =	simm.s32 $0x100;
	s8 =	smul.u32 $0x2780, s0  }
0x7: {  	s15 =	simm.s32 $0x1;
	[smem:$0x7FF] =	sst s3;
	s9 =	smul.u32 $0x1400, s0  }
0x8: {  	s16 =	simm.s32 $0x0;
	s10 =	smul.u32 $0x14000, s4;
	_ =	strace $0x80000050  }
0x9: {  	s26 =	ssub.s32 $0x2, s4;
	s4 =	sadd.s32 $0xC200, s5;
	s31 =	sshll.u32 s0, $0x6  }
0xa: {  	s29 =	sshrl.u32 s26, $0x1;
	s7 =	sadd.s32 s8, s7;
	s25 =	sadd.s32 s9, s10  }
0xb: {  	s8 =	ssub.s32 s26, s29;
	s12 =	sadd.s32 s9, s2;
	s30 =	sshrl.u32 s9, $0x3  }
0xc: {  	s7 =	sshrl.u32 s7, $0x3;
	s28 =	sshrl.u32 s25, $0x3;
	s8 =	smax.u32 s8, $0x1  }
0xd: {  	s11 =	sadd.s32 s7, s5;
	s7 =	sadd.s32 s28, s5;
	s5 =	sadd.s32 s6, s30  }
0xe: {  	s6 =	sor.u32 $0x1C02, s31;
	s7 =	sadd.s32 $0xEA00, s7;
	s9 =	sadd.s32 $0x2400, s11  }
0xf: {  	s10 =	sadd.s32 $0x13A00, s11;
	s11 =	sshrl.u32 s12, $0x3;
	s12 =	simm.s32 $0x2  }
.LBB2_1:
0x10: {  	[spmem:s11], [sflag:s6] =	dma.local [hbm:s5], $0x280  }
0x11: {  	_ =	swait.ge [sflag:s12], $0x280  }
0x12: {  	[sflag:s12] =	ssyncset.done $0x0  }
0x13: {  	[sflag:s12] =	ssyncadd.s32 $0xFFFFFD80  }
0x14: {  	s17 =	sadd.s32 $0x0, s10;
	[bflag:$0x0] =	sbarrier.arrive $0xFFFF  }
0x15: {  	[tilespmem:s3], [sflag:$0x2] =	stream.linear.gather [hbm4b:s17+s3], $0x80, $0x38;
	[tilespmem:$0xA00] =	vst v63  }
0x16: {  	_ =	swait.ge [sflag:s12], $0x80  }
0x17: {  	[sflag:s12] =	ssyncset.done $0x0  }
0x18: {  	s31 =	sadd.s32 $0x0, s9;
	[sflag:s12] =	ssyncadd.s32 $0xFFFFFF80  }
0x19: {  	[tilespmem:s13], [sflag:$0x2] =	stream.linear.gather [hbm4b:s31+s3], $0x80, $0x38;
	[tilespmem:$0xA00] =	vst v63  }
0x1a: {  	_ =	swait.ge [sflag:s12], $0x80  }
0x1b: {  	[sflag:s12] =	ssyncset.done $0x0  }
0x1c: {  	[sflag:s12] =	ssyncadd.s32 $0xFFFFFF80  }
0x1d: {  	[tilespmem:s14], [sflag:$0x1] =	stream.indirect.gather [hbm4b:s4+s13], $0x2, s3, s13, $0xb8;
	[tilespmem:$0xA00] =	vst v63  }
0x1e: {  	_ =	swait.ge [sflag:s15], $0x100  }
0x1f: {  	[sflag:s15] =	ssyncset.done $0x0  }
0x20: {  	[sflag:s15] =	ssyncadd.s32 $0xFFFFFF00  }
0x21: {  	[spmem:s2] =	stream.indirect.scatter.add.f32 [tilespmem:s14], [sflag:$0x2], $0x2, s13, s13, $0xb8;
	[tilespmem:$0xA00] =	vst v63  }
0x22: {  	_ =	swait.ge [sflag:s12], $0x100  }
0x23: {  	s18 =	simm.s32 $0x20;
	s17 =	simm.s32 $0x10;
	[sflag:s12] =	ssyncset.done $0x0  }
.LBB2_2:
0x24: {  	s19 =	sadd.s32 s17, s10  }
0x25: {  	[sflag:s12] =	ssyncadd.s32 $0xFFFFFF00;
	s20 =	smov.u32 s18;
	s21 =	sadd.s32 $0x10, s18  }
0x26: {  	[tilespmem:s3], [sflag:$0x2] =	stream.linear.gather [hbm4b:s19+s3], $0x80, $0x38;
	[tilespmem:$0xA00] =	vst v63  }
0x27: {  	p0 =	sne.s32 s18, $0x4E0;
	_ =	swait.ge [sflag:s12], $0x80  }
0x28: {  	[sflag:s12] =	ssyncset.done $0x0  }
0x29: {  	s18 =	sadd.s32 s17, s9;
	s17 =	smov.u32 s20;
	[sflag:s12] =	ssyncadd.s32 $0xFFFFFF80  }
0x2a: {  	[tilespmem:s13], [sflag:$0x2] =	stream.linear.gather [hbm4b:s18+s3], $0x80, $0x38;
	[tilespmem:$0xA00] =	vst v63  }
0x2b: {  	_ =	swait.ge [sflag:s12], $0x80  }
0x2c: {  	[sflag:s12] =	ssyncset.done $0x0  }
0x2d: {  	[sflag:s12] =	ssyncadd.s32 $0xFFFFFF80  }
0x2e: {  	[tilespmem:s14], [sflag:$0x1] =	stream.indirect.gather [hbm4b:s4+s13], $0x2, s3, s13, $0xb8;
	[tilespmem:$0xA00] =	vst v63  }
0x2f: {  	_ =	swait.ge [sflag:s15], $0x100  }
.Ltmp0:
0x30: {  	[sflag:s15] =	ssyncset.done $0x0;
	(pc) =	sbr.rel @p0 .LBB2_2-.Ltmp0, $4  }
0x31: {  	[sflag:s15] =	ssyncadd.s32 $0xFFFFFF00  }
0x32: {  	[spmem:s2] =	stream.indirect.scatter.add.f32 [tilespmem:s14], [sflag:$0x2], $0x2, s13, s13, $0xb8;
	[tilespmem:$0xA00] =	vst v63  }
0x33: {  	_ =	swait.ge [sflag:s12], $0x100  }
0x34: {  	s18 =	smov.u32 s21;
	[sflag:s12] =	ssyncset.done $0x0  }
0x35: {  	s18 =	sadd.s32 s17, s10;
	[sflag:s12] =	ssyncadd.s32 $0xFFFFFF00  }
0x36: {  	[tilespmem:s3], [sflag:$0x2] =	stream.linear.gather [hbm4b:s18+s3], $0x80, $0x38;
	[tilespmem:$0xA00] =	vst v63  }
0x37: {  	_ =	swait.ge [sflag:s12], $0x80  }
0x38: {  	[sflag:s12] =	ssyncset.done $0x0  }
0x39: {  	s31 =	sadd.s32 s17, s9;
	[sflag:s12] =	ssyncadd.s32 $0xFFFFFF80  }
0x3a: {  	[tilespmem:s13], [sflag:$0x2] =	stream.linear.gather [hbm4b:s31+s3], $0x80, $0x38;
	[tilespmem:$0xA00] =	vst v63  }
0x3b: {  	_ =	swait.ge [sflag:s12], $0x80  }
0x3c: {  	[sflag:s12] =	ssyncset.done $0x0  }
0x3d: {  	[sflag:s12] =	ssyncadd.s32 $0xFFFFFF80  }
0x3e: {  	[tilespmem:s14], [sflag:$0x1] =	stream.indirect.gather [hbm4b:s4+s13], $0x2, s3, s13, $0xb8;
	[tilespmem:$0xA00] =	vst v63  }
0x3f: {  	_ =	swait.ge [sflag:s15], $0x100  }
0x40: {  	[sflag:s15] =	ssyncset.done $0x0  }
0x41: {  	[sflag:s15] =	ssyncadd.s32 $0xFFFFFF00  }
0x42: {  	[spmem:s2] =	stream.indirect.scatter.add.f32 [tilespmem:s14], [sflag:$0x2], $0x2, s13, s13, $0xb8;
	[tilespmem:$0xA00] =	vst v63  }
0x43: {  	_ =	swait.ge [sflag:s12], $0x100  }
0x44: {  	s16 =	sadd.s32 $0x1, s16;
	[sflag:s12] =	ssyncset.done $0x0  }
0x45: {  	p0 =	sne.s32 s16, s8;
	[sflag:s12] =	ssyncadd.s32 $0xFFFFFF00  }
.Ltmp1:
0x46: {  	[bflag:$0x0] =	sbarrier.arrive $0xFFFF;
	(pc) =	sbr.rel @p0 .LBB2_1-.Ltmp1, $4  }
0x47: {  	[hbm:s7], [sflag:s6] =	dma.local [spmem:s11], $0x280  }
0x48: {  	_ =	swait.ge [sflag:s12], $0x280  }
0x49: {  	[sflag:s12] =	ssyncset.done $0x0  }
0x4a: {  	[sflag:s12] =	ssyncadd.s32 $0xFFFFFD80  }
0x4b: {  	_ =	sfence.sel $0x180000  }
0x4c: {  	[bflag:$0x0] =	sbarrier.arrive $0xFFFF  }
0x4d: {  	p0 =	sne.s32 s0, $0x0;
	_ =	strace $0x90000050  }
0x4e: {  	s0 =	sadd.s32 @!p0 $0x100000, s1;
	[bflag:$0x2] =	sbarrier.arrive $0xFFFF  }
0x4f: {  	[sflag:s0] =	ssyncadd.tile.s32 @!p0 $0x1;
	_ =	shalt  }
.Lfunc_end2:
_tile_overlayer_lowered:
.L_overlay_start_2:
0x50: {  	(tag) =	ssettag $0x2  }
0x51: {  	s0 =	rddreg [dreg:$0x0];
	s2 =	stileid.u32  }
0x52: {  	s1 =	rddreg [dreg:$0x1];
	p0 =	sne.s32 s2, $0x0  }
0x53: {  	s3 =	rddreg [dreg:$0x2];
	[bflag:$0x3] =	sbarrier.arrive $0xFFFF;
	s2 =	simm.s32 @!p0 $0x1C02  }
0x54: {  	[timem:s3], [sflag:s2] =	dma.local @!p0 [hbm:s0], s1  }
0x55: {  	s0 =	simm.s32 @!p0 $0x2  }
0x56: {  	_ =	swait.ge @!p0 [sflag:s0], s1  }
0x57: {  	s1 =	ssub.s32 @!p0 $0x0, s1;
	[sflag:s0] =	ssyncset.done @!p0 $0x0  }
0x58: {  	[sflag:s0] =	ssyncadd.s32 @!p0 s1  }
0x59: {  	[bflag:$0x3] =	sbarrier.arrive $0xFFFF  }
0x5a: {  	_ =	shalt  }

</sc_bundles>
